<compile_context>
chip_gen: v7x
topology: tpu7x:2x2x1
jax: 0.10.2.dev20260603
libtpu: 0.0.44.dev20260713+nightly
codegen_flags: <defaults>
</compile_context>

<pallas_src>
import functools

import jax
import jax.numpy as jnp
from jax import lax
from jax.experimental import pallas as pl
from jax.experimental.pallas import tpu as pltpu
from jax.experimental.pallas import tpu_sc as plsc

_VOCAB = 100000
_EMB = 128
_BATCH = 4096
_FIELDS = 100
_NC = 2
_NS = 16
_NW = _NC * _NS
_BPW = _BATCH // _NW
_GRP = _BPW // 16
_VCHUNK = 4096
_VGRID = -(-_VOCAB // _VCHUNK)
_CCH = 10


def _c_table_body(t2_ref, t1r_ref, c_ref):
    t2 = t2_ref[...]
    ones = jnp.ones((1, _EMB), jnp.float32)
    norm2 = jax.lax.dot_general(
        ones, t2 * t2, (((1,), (1,)), ((), ())),
        preferred_element_type=jnp.float32,
    )
    c_ref[...] = t1r_ref[...] - 0.5 * norm2


def _c_table(order2_table, order1_row):
    return pl.pallas_call(
        _c_table_body,
        grid=(_VGRID,),
        in_specs=[
            pl.BlockSpec((_VCHUNK, _EMB), lambda i: (i, 0)),
            pl.BlockSpec((1, _VCHUNK), lambda i: (0, i)),
        ],
        out_specs=pl.BlockSpec((1, _VCHUNK), lambda i: (0, i)),
        out_shape=jax.ShapeDtypeStruct((1, _VOCAB), jnp.float32),
    )(order2_table, order1_row)


_mesh = plsc.VectorSubcoreMesh(
    core_axis_name="c", subcore_axis_name="s", num_cores=_NC, num_subcores=_NS
)


@functools.partial(
    pl.kernel,
    out_type=jax.ShapeDtypeStruct((_BATCH,), jnp.float32),
    mesh=_mesh,
    scratch_types=[
        pltpu.VMEM((_BPW, _FIELDS), jnp.int32),
        pltpu.VMEM((_FIELDS, _BPW), jnp.int32),
        pltpu.VMEM((_BPW, _EMB), jnp.float32),
        pltpu.VMEM((_BPW,), jnp.float32),
        pltpu.SemaphoreType.DMA,
        pltpu.SemaphoreType.DMA,
    ],
    compiler_params=pltpu.CompilerParams(needs_layout_passes=False),
)
def _fm_sc_a(idx_hbm, t2_hbm, out_hbm, idx_v, frows_v, acc_v, out_v, isem, gsem):
    _zeros16 = jnp.zeros((16,), jnp.float32)
    cid = lax.axis_index("c")
    sid = lax.axis_index("s")
    wid = sid * _NC + cid
    base = wid * _BPW

    idx_cp = pltpu.make_async_copy(idx_hbm.at[pl.ds(base, _BPW), :], idx_v, isem)
    idx_cp.start()

    rows = [jnp.arange(16, dtype=jnp.int32) + g * 16 for g in range(_GRP)]

    def _zero(b, carry):
        for j in range(_EMB // 16):
            acc_v[b, pl.ds(j * 16, 16)] = _zeros16
        return carry

    lax.fori_loop(0, _BPW, _zero, 0)
    idx_cp.wait()

    def _field(f, carry):
        col = jnp.full((16,), f, jnp.int32)
        for g in range(_GRP):
            frows_v[f, pl.ds(g * 16, 16)] = plsc.load_gather(idx_v, [rows[g], col])
        pltpu.async_copy(t2_hbm.at[frows_v.at[f]], acc_v, gsem, add=True)
        return carry

    lax.fori_loop(0, _FIELDS, _field, 0)

    def _drain(f, carry):
        pltpu.make_async_copy(t2_hbm.at[frows_v.at[0]], acc_v, gsem).wait()
        return carry

    lax.fori_loop(0, _FIELDS, _drain, 0)

    def _ssq(d, ssq):
        col = jnp.full((16,), d, jnp.int32)
        out = []
        for g in range(_GRP):
            v = plsc.load_gather(acc_v, [rows[g], col])
            out.append(ssq[g] + v * v)
        return tuple(out)

    ssq = lax.fori_loop(0, _EMB, _ssq, (_zeros16,) * _GRP)

    for g in range(_GRP):
        out_v[pl.ds(g * 16, 16)] = 0.5 * ssq[g]

    pltpu.sync_copy(out_v, out_hbm.at[pl.ds(base, _BPW)])


@functools.partial(
    pl.kernel,
    out_type=jax.ShapeDtypeStruct((_BATCH,), jnp.float32),
    mesh=_mesh,
    scratch_types=[
        pltpu.VMEM((_BPW, _FIELDS), jnp.int32),
        pltpu.VMEM((_FIELDS, _BPW), jnp.int32),
        pltpu.VMEM((_VOCAB,), jnp.float32),
        pltpu.VMEM((_BPW,), jnp.float32),
        pltpu.SemaphoreType.DMA,
        pltpu.SemaphoreType.DMA,
        pltpu.SemaphoreType.DMA,
    ],
    compiler_params=pltpu.CompilerParams(needs_layout_passes=False),
)
def _fm_sc_b(idx_hbm, c_hbm, part_hbm, out_hbm, idx_v, frows_v, c_v, out_v,
             csem, isem, psem):
    _zeros16 = jnp.zeros((16,), jnp.float32)
    cid = lax.axis_index("c")
    sid = lax.axis_index("s")
    wid = sid * _NC + cid
    base = wid * _BPW
    cw = _VOCAB // _CCH

    idx_cp = pltpu.make_async_copy(idx_hbm.at[pl.ds(base, _BPW), :], idx_v, isem)
    idx_cp.start()
    part_cp = pltpu.make_async_copy(part_hbm.at[pl.ds(base, _BPW)], out_v, psem)
    part_cp.start()
    for k in range(_CCH):
        chunk = (wid + k) % _CCH
        pltpu.make_async_copy(
            c_hbm.at[pl.ds(chunk * cw, cw)], c_v.at[pl.ds(chunk * cw, cw)], csem
        ).start()
    idx_cp.wait()
    part_cp.wait()

    rows = [jnp.arange(16, dtype=jnp.int32) + g * 16 for g in range(_GRP)]

    def _build(f, carry):
        col = jnp.full((16,), f, jnp.int32)
        for g in range(_GRP):
            frows_v[f, pl.ds(g * 16, 16)] = plsc.load_gather(idx_v, [rows[g], col])
        return carry

    lax.fori_loop(0, _FIELDS, _build, 0)

    for k in range(_CCH):
        pltpu.make_async_copy(
            c_hbm.at[pl.ds(0, cw)], c_v.at[pl.ds(0, cw)], csem
        ).wait()

    def _csum(f, cacc):
        out = []
        for g in range(_GRP):
            i16 = frows_v[f, pl.ds(g * 16, 16)]
            out.append(cacc[g] + plsc.load_gather(c_v, [i16]))
        return tuple(out)

    cacc = lax.fori_loop(0, _FIELDS, _csum, (_zeros16,) * _GRP)

    for g in range(_GRP):
        out_v[pl.ds(g * 16, 16)] = out_v[pl.ds(g * 16, 16)] + cacc[g]

    pltpu.sync_copy(out_v, out_hbm.at[pl.ds(base, _BPW)])


def kernel(inputs, order2_table, order1_table):
    idx = inputs.astype(jnp.int32)
    t1_row = order1_table.reshape(1, _VOCAB)
    c = _c_table(order2_table, t1_row).reshape(_VOCAB)
    partial = _fm_sc_a(idx, order2_table)
    out = _fm_sc_b(idx, c, partial)
    return out.reshape(_BATCH, 1)

# --- scband reference (transcript-rebuilt; emitter-appended) ---
"""Pipeline reference for scband-fm-10522669875526 (READ-ONLY COPY).

The authoritative reference and input builder live on the scoring server;
editing this copy changes nothing except your own understanding.
"""

import jax, jax.numpy as jnp
import numpy as np

VOCAB = 100000
EMB = 128
BATCH = 4096
FIELDS = 100

def setup_inputs(seed: int = 0) -> dict:
    key = jax.random.key(seed)
    k1, k2, k3 = jax.random.split(key, 3)
    inputs = jax.random.randint(k1, (BATCH, FIELDS), 0, VOCAB, dtype=jnp.int64)
    order2_table = jax.random.normal(k2, (VOCAB, EMB), dtype=jnp.float32) * 0.05
    order1_table = jax.random.normal(k3, (VOCAB, 1), dtype=jnp.float32) * 0.05
    return {"inputs": inputs, "order2_table": order2_table, "order1_table": order1_table}

def reference(inputs, order2_table, order1_table):
    # order-2 embeddings: [B, F, D]
    order2_embeddings = jnp.take(order2_table, inputs, axis=0)
    sum_square_emb = jnp.square(jnp.sum(order2_embeddings, axis=1, keepdims=True))  # [B,1,D]
    square_sum_emb = jnp.sum(jnp.square(order2_embeddings), axis=1, keepdims=True)  # [B,1,D]
    order2_logits = 0.5 * (jnp.sum(sum_square_emb, axis=-1) - jnp.sum(square_sum_emb, axis=-1))  # [B,1]
    # order-1 embeddings: [B, F, 1]
    order1_embeddings = jnp.take(order1_table, inputs, axis=0)
    order1_logits = jnp.sum(order1_embeddings, axis=1)  # [B,1]
    logits = order1_logits + order2_logits
    return logits

if __name__ == "__main__":
    import jax
    _d = setup_inputs()
    print(jax.jit(kernel)(*tuple(_d.values())))

</pallas_src>

<mosaic_0001>
#map = affine_map<(d0, d1) -> (0, 0)>
#map1 = affine_map<(d0, d1) -> (0)>
module attributes {stable_mosaic.version = 14 : i64} {
  func.func @_fm_sc_a(%arg0: i32, %arg1: i32, %arg2: memref<4096x100xi32, #tpu.memory_space<hbm>>, %arg3: memref<100000x128xf32, #tpu.memory_space<hbm>>, %arg4: memref<4096xf32, #tpu.memory_space<hbm>>, %arg5: memref<128x100xi32, #tpu.memory_space<vmem>>, %arg6: memref<100x128xi32, #tpu.memory_space<vmem>>, %arg7: memref<128x128xf32, #tpu.memory_space<vmem>>, %arg8: memref<128xf32, #tpu.memory_space<vmem>>, %arg9: memref<!tpu.dma_semaphore, #tpu.memory_space<semaphore_mem>>, %arg10: memref<!tpu.dma_semaphore, #tpu.memory_space<semaphore_mem>>) attributes {dimension_semantics = [#tpu.dimension_semantics<core_parallel>, #tpu.dimension_semantics<subcore_parallel>], iteration_bounds = array<i64: 2, 16>, scalar_prefetch = 0 : i64, scratch_operands = 6 : i64, tpu.core_type = #tpu.core_type<sc_vector_subcore>, window_params = [{transform_indices = #map}, {transform_indices = #map}, {transform_indices = #map1}]} {
    %broadcast_in_dim3A = arith.constant 0.000000e+00 : f32
    %broadcast_in_dim3A_0 = vector.broadcast %broadcast_in_dim3A : f32 to vector<16xf32>
    %mul3A = arith.constant 2 : i32
    %mul3A_1 = arith.muli %arg1, %mul3A : i32
    %add3A = arith.addi %mul3A_1, %arg0 : i32
    %mul3A_2 = arith.constant 128 : i32
    %mul3A_3 = arith.muli %add3A, %mul3A_2 : i32
    %dma_start3A = arith.constant 0 : i32
    %dma_start3A_4 = tpu.memref_slice %arg2[%mul3A_3, %dma_start3A] : memref<4096x100xi32, #tpu.memory_space<hbm>> -> memref<128x100xi32, #tpu.memory_space<hbm>>
    %dma_start3A_5 = arith.constant 0 : i32
    %dma_start3A_6 = tpu.memref_slice %arg2[%mul3A_3, %dma_start3A_5] : memref<4096x100xi32, #tpu.memory_space<hbm>> -> memref<128x100xi32, #tpu.memory_space<hbm>>
    tpu.enqueue_dma source(%dma_start3A_6 : memref<128x100xi32, #tpu.memory_space<hbm>>) target(%arg5 : memref<128x100xi32, #tpu.memory_space<vmem>>) target_semaphore(%arg9 : memref<!tpu.dma_semaphore, #tpu.memory_space<semaphore_mem>>)
    %iota3A = tpu.iota {dimensions = array<i32: 0>} : vector<16xi32>
    %add3A_7 = arith.constant 0 : i32
    %add3A_8 = vector.broadcast %add3A_7 : i32 to vector<16xi32>
    %add3A_9 = arith.addi %iota3A, %add3A_8 : vector<16xi32>
    %iota3A_10 = tpu.iota {dimensions = array<i32: 0>} : vector<16xi32>
    %add3A_11 = arith.constant 16 : i32
    %add3A_12 = vector.broadcast %add3A_11 : i32 to vector<16xi32>
    %add3A_13 = arith.addi %iota3A_10, %add3A_12 : vector<16xi32>
    %iota3A_14 = tpu.iota {dimensions = array<i32: 0>} : vector<16xi32>
    %add3A_15 = arith.constant 32 : i32
    %add3A_16 = vector.broadcast %add3A_15 : i32 to vector<16xi32>
    %add3A_17 = arith.addi %iota3A_14, %add3A_16 : vector<16xi32>
    %iota3A_18 = tpu.iota {dimensions = array<i32: 0>} : vector<16xi32>
    %add3A_19 = arith.constant 48 : i32
    %add3A_20 = vector.broadcast %add3A_19 : i32 to vector<16xi32>
    %add3A_21 = arith.addi %iota3A_18, %add3A_20 : vector<16xi32>
    %iota3A_22 = tpu.iota {dimensions = array<i32: 0>} : vector<16xi32>
    %add3A_23 = arith.constant 64 : i32
    %add3A_24 = vector.broadcast %add3A_23 : i32 to vector<16xi32>
    %add3A_25 = arith.addi %iota3A_22, %add3A_24 : vector<16xi32>
    %iota3A_26 = tpu.iota {dimensions = array<i32: 0>} : vector<16xi32>
    %add3A_27 = arith.constant 80 : i32
    %add3A_28 = vector.broadcast %add3A_27 : i32 to vector<16xi32>
    %add3A_29 = arith.addi %iota3A_26, %add3A_28 : vector<16xi32>
    %iota3A_30 = tpu.iota {dimensions = array<i32: 0>} : vector<16xi32>
    %add3A_31 = arith.constant 96 : i32
    %add3A_32 = vector.broadcast %add3A_31 : i32 to vector<16xi32>
    %add3A_33 = arith.addi %iota3A_30, %add3A_32 : vector<16xi32>
    %iota3A_34 = tpu.iota {dimensions = array<i32: 0>} : vector<16xi32>
    %add3A_35 = arith.constant 112 : i32
    %add3A_36 = vector.broadcast %add3A_35 : i32 to vector<16xi32>
    %add3A_37 = arith.addi %iota3A_34, %add3A_36 : vector<16xi32>
    %scan3A = arith.constant 0 : i32
    %scan3A_38 = arith.constant 0 : i32
    %scan3A_39 = arith.constant 128 : i32
    %scan3A_40 = arith.addi %scan3A_38, %scan3A_39 : i32
    %scan3A_41 = arith.constant 1 : i32
    scf.for %scan3A_103 = %scan3A_38 to %scan3A_40 step %scan3A_41  : i32 {
      %swap3A_104 = arith.index_cast %scan3A_103 : i32 to index
      %swap3A_105 = arith.constant 0 : index
      %swap3A_106 = tpu.vector_load %arg7[%swap3A_104, %swap3A_105] {strides = array<i32>} : memref<128x128xf32, #tpu.memory_space<vmem>>, vector<16xf32>,
      tpu.vector_store %arg7[%swap3A_104, %swap3A_105], %broadcast_in_dim3A_0 {strides = array<i32>} : memref<128x128xf32, #tpu.memory_space<vmem>>, vector<16xf32>,
      %swap3A_107 = arith.index_cast %scan3A_103 : i32 to index
      %swap3A_108 = arith.constant 16 : index
      %swap3A_109 = tpu.vector_load %arg7[%swap3A_107, %swap3A_108] {strides = array<i32>} : memref<128x128xf32, #tpu.memory_space<vmem>>, vector<16xf32>,
      tpu.vector_store %arg7[%swap3A_107, %swap3A_108], %broadcast_in_dim3A_0 {strides = array<i32>} : memref<128x128xf32, #tpu.memory_space<vmem>>, vector<16xf32>,
      %swap3A_110 = arith.index_cast %scan3A_103 : i32 to index
      %swap3A_111 = arith.constant 32 : index
      %swap3A_112 = tpu.vector_load %arg7[%swap3A_110, %swap3A_111] {strides = array<i32>} : memref<128x128xf32, #tpu.memory_space<vmem>>, vector<16xf32>,
      tpu.vector_store %arg7[%swap3A_110, %swap3A_111], %broadcast_in_dim3A_0 {strides = array<i32>} : memref<128x128xf32, #tpu.memory_space<vmem>>, vector<16xf32>,
      %swap3A_113 = arith.index_cast %scan3A_103 : i32 to index
      %swap3A_114 = arith.constant 48 : index
      %swap3A_115 = tpu.vector_load %arg7[%swap3A_113, %swap3A_114] {strides = array<i32>} : memref<128x128xf32, #tpu.memory_space<vmem>>, vector<16xf32>,
      tpu.vector_store %arg7[%swap3A_113, %swap3A_114], %broadcast_in_dim3A_0 {strides = array<i32>} : memref<128x128xf32, #tpu.memory_space<vmem>>, vector<16xf32>,
      %swap3A_116 = arith.index_cast %scan3A_103 : i32 to index
      %swap3A_117 = arith.constant 64 : index
      %swap3A_118 = tpu.vector_load %arg7[%swap3A_116, %swap3A_117] {strides = array<i32>} : memref<128x128xf32, #tpu.memory_space<vmem>>, vector<16xf32>,
      tpu.vector_store %arg7[%swap3A_116, %swap3A_117], %broadcast_in_dim3A_0 {strides = array<i32>} : memref<128x128xf32, #tpu.memory_space<vmem>>, vector<16xf32>,
      %swap3A_119 = arith.index_cast %scan3A_103 : i32 to index
      %swap3A_120 = arith.constant 80 : index
      %swap3A_121 = tpu.vector_load %arg7[%swap3A_119, %swap3A_120] {strides = array<i32>} : memref<128x128xf32, #tpu.memory_space<vmem>>, vector<16xf32>,
      tpu.vector_store %arg7[%swap3A_119, %swap3A_120], %broadcast_in_dim3A_0 {strides = array<i32>} : memref<128x128xf32, #tpu.memory_space<vmem>>, vector<16xf32>,
      %swap3A_122 = arith.index_cast %scan3A_103 : i32 to index
      %swap3A_123 = arith.constant 96 : index
      %swap3A_124 = tpu.vector_load %arg7[%swap3A_122, %swap3A_123] {strides = array<i32>} : memref<128x128xf32, #tpu.memory_space<vmem>>, vector<16xf32>,
      tpu.vector_store %arg7[%swap3A_122, %swap3A_123], %broadcast_in_dim3A_0 {strides = array<i32>} : memref<128x128xf32, #tpu.memory_space<vmem>>, vector<16xf32>,
      %swap3A_125 = arith.index_cast %scan3A_103 : i32 to index
      %swap3A_126 = arith.constant 112 : index
      %swap3A_127 = tpu.vector_load %arg7[%swap3A_125, %swap3A_126] {strides = array<i32>} : memref<128x128xf32, #tpu.memory_space<vmem>>, vector<16xf32>,
      tpu.vector_store %arg7[%swap3A_125, %swap3A_126], %broadcast_in_dim3A_0 {strides = array<i32>} : memref<128x128xf32, #tpu.memory_space<vmem>>, vector<16xf32>,
    }
    %scan3A_42 = arith.constant 128 : i32
    %dma_wait3A = arith.constant 0 : i32
    %dma_wait3A_43 = tpu.memref_slice %arg2[%mul3A_3, %dma_wait3A] : memref<4096x100xi32, #tpu.memory_space<hbm>> -> memref<128x100xi32, #tpu.memory_space<hbm>>
    %dma_wait3A_44 = arith.constant 0 : i32
    %dma_wait3A_45 = tpu.memref_slice %arg2[%mul3A_3, %dma_wait3A_44] : memref<4096x100xi32, #tpu.memory_space<hbm>> -> memref<128x100xi32, #tpu.memory_space<hbm>>
    tpu.wait_dma2 semaphore(%arg9 : memref<!tpu.dma_semaphore, #tpu.memory_space<semaphore_mem>>) src(%dma_wait3A_45 : memref<128x100xi32, #tpu.memory_space<hbm>>) dst(%arg5 : memref<128x100xi32, #tpu.memory_space<vmem>>)
    %scan3A_46 = arith.constant 0 : i32
    %scan3A_47 = arith.constant 0 : i32
    %scan3A_48 = arith.constant 100 : i32
    %scan3A_49 = arith.addi %scan3A_47, %scan3A_48 : i32
    %scan3A_50 = arith.constant 1 : i32
    scf.for %scan3A_103 = %scan3A_47 to %scan3A_49 step %scan3A_50  : i32 {
      %broadcast_in_dim3A_104 = vector.broadcast %scan3A_103 : i32 to vector<16xi32>
      %gather3A = tpu.vector_load_idx %arg5[%add3A_9, %broadcast_in_dim3A_104] : memref<128x100xi32, #tpu.memory_space<vmem>>[vector<16xi32>, vector<16xi32>], vector<16xi32>,
      %swap3A_105 = arith.index_cast %scan3A_103 : i32 to index
      %swap3A_106 = arith.constant 0 : index
      %swap3A_107 = tpu.vector_load %arg6[%swap3A_105, %swap3A_106] {strides = array<i32>} : memref<100x128xi32, #tpu.memory_space<vmem>>, vector<16xi32>,
      tpu.vector_store %arg6[%swap3A_105, %swap3A_106], %gather3A {strides = array<i32>} : memref<100x128xi32, #tpu.memory_space<vmem>>, vector<16xi32>,
      %gather3A_108 = tpu.vector_load_idx %arg5[%add3A_13, %broadcast_in_dim3A_104] : memref<128x100xi32, #tpu.memory_space<vmem>>[vector<16xi32>, vector<16xi32>], vector<16xi32>,
      %swap3A_109 = arith.index_cast %scan3A_103 : i32 to index
      %swap3A_110 = arith.constant 16 : index
      %swap3A_111 = tpu.vector_load %arg6[%swap3A_109, %swap3A_110] {strides = array<i32>} : memref<100x128xi32, #tpu.memory_space<vmem>>, vector<16xi32>,
      tpu.vector_store %arg6[%swap3A_109, %swap3A_110], %gather3A_108 {strides = array<i32>} : memref<100x128xi32, #tpu.memory_space<vmem>>, vector<16xi32>,
      %gather3A_112 = tpu.vector_load_idx %arg5[%add3A_17, %broadcast_in_dim3A_104] : memref<128x100xi32, #tpu.memory_space<vmem>>[vector<16xi32>, vector<16xi32>], vector<16xi32>,
      %swap3A_113 = arith.index_cast %scan3A_103 : i32 to index
      %swap3A_114 = arith.constant 32 : index
      %swap3A_115 = tpu.vector_load %arg6[%swap3A_113, %swap3A_114] {strides = array<i32>} : memref<100x128xi32, #tpu.memory_space<vmem>>, vector<16xi32>,
      tpu.vector_store %arg6[%swap3A_113, %swap3A_114], %gather3A_112 {strides = array<i32>} : memref<100x128xi32, #tpu.memory_space<vmem>>, vector<16xi32>,
      %gather3A_116 = tpu.vector_load_idx %arg5[%add3A_21, %broadcast_in_dim3A_104] : memref<128x100xi32, #tpu.memory_space<vmem>>[vector<16xi32>, vector<16xi32>], vector<16xi32>,
      %swap3A_117 = arith.index_cast %scan3A_103 : i32 to index
      %swap3A_118 = arith.constant 48 : index
      %swap3A_119 = tpu.vector_load %arg6[%swap3A_117, %swap3A_118] {strides = array<i32>} : memref<100x128xi32, #tpu.memory_space<vmem>>, vector<16xi32>,
      tpu.vector_store %arg6[%swap3A_117, %swap3A_118], %gather3A_116 {strides = array<i32>} : memref<100x128xi32, #tpu.memory_space<vmem>>, vector<16xi32>,
      %gather3A_120 = tpu.vector_load_idx %arg5[%add3A_25, %broadcast_in_dim3A_104] : memref<128x100xi32, #tpu.memory_space<vmem>>[vector<16xi32>, vector<16xi32>], vector<16xi32>,
      %swap3A_121 = arith.index_cast %scan3A_103 : i32 to index
      %swap3A_122 = arith.constant 64 : index
      %swap3A_123 = tpu.vector_load %arg6[%swap3A_121, %swap3A_122] {strides = array<i32>} : memref<100x128xi32, #tpu.memory_space<vmem>>, vector<16xi32>,
      tpu.vector_store %arg6[%swap3A_121, %swap3A_122], %gather3A_120 {strides = array<i32>} : memref<100x128xi32, #tpu.memory_space<vmem>>, vector<16xi32>,
      %gather3A_124 = tpu.vector_load_idx %arg5[%add3A_29, %broadcast_in_dim3A_104] : memref<128x100xi32, #tpu.memory_space<vmem>>[vector<16xi32>, vector<16xi32>], vector<16xi32>,
      %swap3A_125 = arith.index_cast %scan3A_103 : i32 to index
      %swap3A_126 = arith.constant 80 : index
      %swap3A_127 = tpu.vector_load %arg6[%swap3A_125, %swap3A_126] {strides = array<i32>} : memref<100x128xi32, #tpu.memory_space<vmem>>, vector<16xi32>,
      tpu.vector_store %arg6[%swap3A_125, %swap3A_126], %gather3A_124 {strides = array<i32>} : memref<100x128xi32, #tpu.memory_space<vmem>>, vector<16xi32>,
      %gather3A_128 = tpu.vector_load_idx %arg5[%add3A_33, %broadcast_in_dim3A_104] : memref<128x100xi32, #tpu.memory_space<vmem>>[vector<16xi32>, vector<16xi32>], vector<16xi32>,
      %swap3A_129 = arith.index_cast %scan3A_103 : i32 to index
      %swap3A_130 = arith.constant 96 : index
      %swap3A_131 = tpu.vector_load %arg6[%swap3A_129, %swap3A_130] {strides = array<i32>} : memref<100x128xi32, #tpu.memory_space<vmem>>, vector<16xi32>,
      tpu.vector_store %arg6[%swap3A_129, %swap3A_130], %gather3A_128 {strides = array<i32>} : memref<100x128xi32, #tpu.memory_space<vmem>>, vector<16xi32>,
      %gather3A_132 = tpu.vector_load_idx %arg5[%add3A_37, %broadcast_in_dim3A_104] : memref<128x100xi32, #tpu.memory_space<vmem>>[vector<16xi32>, vector<16xi32>], vector<16xi32>,
      %swap3A_133 = arith.index_cast %scan3A_103 : i32 to index
      %swap3A_134 = arith.constant 112 : index
      %swap3A_135 = tpu.vector_load %arg6[%swap3A_133, %swap3A_134] {strides = array<i32>} : memref<100x128xi32, #tpu.memory_space<vmem>>, vector<16xi32>,
      tpu.vector_store %arg6[%swap3A_133, %swap3A_134], %gather3A_132 {strides = array<i32>} : memref<100x128xi32, #tpu.memory_space<vmem>>, vector<16xi32>,
      %dma_start3A_136 = arith.constant 0 : i32
      %dma_start3A_137 = tpu.memref_slice %arg6[%scan3A_103, %dma_start3A_136] : memref<100x128xi32, #tpu.memory_space<vmem>> -> memref<1x128xi32, #tpu.memory_space<vmem>>
      %dma_start3A_138 = tpu.memref_squeeze %dma_start3A_137 : memref<1x128xi32, #tpu.memory_space<vmem>> -> memref<128xi32, #tpu.memory_space<vmem>>
      %dma_start3A_139 = arith.constant 0 : i32
      %dma_start3A_140 = arith.constant 0 : i32
      %dma_start3A_141 = tpu.memref_slice %arg3[%dma_start3A_139, %dma_start3A_140] : memref<100000x128xf32, #tpu.memory_space<hbm>> -> memref<100000x128xf32, #tpu.memory_space<hbm>>
      tpu.enqueue_indirect_dma source(%dma_start3A_141 : memref<100000x128xf32, #tpu.memory_space<hbm>>) target(%arg7 : memref<128x128xf32, #tpu.memory_space<vmem>>) offsets(%dma_start3A_138 : memref<128xi32, #tpu.memory_space<vmem>>) semaphore(%arg10 : memref<!tpu.dma_semaphore, #tpu.memory_space<semaphore_mem>>) {add = true}
    }
    %scan3A_51 = arith.constant 100 : i32
    %scan3A_52 = arith.constant 0 : i32
    %scan3A_53 = arith.constant 0 : i32
    %scan3A_54 = arith.constant 100 : i32
    %scan3A_55 = arith.addi %scan3A_53, %scan3A_54 : i32
    %scan3A_56 = arith.constant 1 : i32
    scf.for %scan3A_103 = %scan3A_53 to %scan3A_55 step %scan3A_56  : i32 {
      %dma_wait3A_104 = arith.constant 0 : i32
      %dma_wait3A_105 = arith.constant 0 : i32
      %dma_wait3A_106 = tpu.memref_slice %arg6[%dma_wait3A_104, %dma_wait3A_105] : memref<100x128xi32, #tpu.memory_space<vmem>> -> memref<1x128xi32, #tpu.memory_space<vmem>>
      %dma_wait3A_107 = tpu.memref_squeeze %dma_wait3A_106 : memref<1x128xi32, #tpu.memory_space<vmem>> -> memref<128xi32, #tpu.memory_space<vmem>>
      %dma_wait3A_108 = arith.constant 0 : i32
      %dma_wait3A_109 = arith.constant 0 : i32
      %dma_wait3A_110 = tpu.memref_slice %arg3[%dma_wait3A_108, %dma_wait3A_109] : memref<100000x128xf32, #tpu.memory_space<hbm>> -> memref<100000x128xf32, #tpu.memory_space<hbm>>
      tpu.wait_indirect_dma semaphore(%arg10 : memref<!tpu.dma_semaphore, #tpu.memory_space<semaphore_mem>>) src(%dma_wait3A_110 : memref<100000x128xf32, #tpu.memory_space<hbm>>) dst(%arg7 : memref<128x128xf32, #tpu.memory_space<vmem>>)
    }
    %scan3A_57 = arith.constant 100 : i32
    %scan3A_58 = arith.constant 0 : i32
    %scan3A_59 = arith.constant 128 : i32
    %scan3A_60 = arith.addi %scan3A_58, %scan3A_59 : i32
    %scan3A_61 = arith.constant 1 : i32
    %scan3A_62:8 = scf.for %scan3A_103 = %scan3A_58 to %scan3A_60 step %scan3A_61 iter_args(%scan3A_104 = %broadcast_in_dim3A_0, %scan3A_105 = %broadcast_in_dim3A_0, %scan3A_106 = %broadcast_in_dim3A_0, %scan3A_107 = %broadcast_in_dim3A_0, %scan3A_108 = %broadcast_in_dim3A_0, %scan3A_109 = %broadcast_in_dim3A_0, %scan3A_110 = %broadcast_in_dim3A_0, %scan3A_111 = %broadcast_in_dim3A_0) -> (vector<16xf32>, vector<16xf32>, vector<16xf32>, vector<16xf32>, vector<16xf32>, vector<16xf32>, vector<16xf32>, vector<16xf32>)  : i32 {
      %broadcast_in_dim3A_112 = vector.broadcast %scan3A_103 : i32 to vector<16xi32>
      %gather3A = tpu.vector_load_idx %arg7[%add3A_9, %broadcast_in_dim3A_112] : memref<128x128xf32, #tpu.memory_space<vmem>>[vector<16xi32>, vector<16xi32>], vector<16xf32>,
      %mul3A_113 = arith.mulf %gather3A, %gather3A : vector<16xf32>
      %add3A_114 = arith.addf %scan3A_104, %mul3A_113 : vector<16xf32>
      %gather3A_115 = tpu.vector_load_idx %arg7[%add3A_13, %broadcast_in_dim3A_112] : memref<128x128xf32, #tpu.memory_space<vmem>>[vector<16xi32>, vector<16xi32>], vector<16xf32>,
      %mul3A_116 = arith.mulf %gather3A_115, %gather3A_115 : vector<16xf32>
      %add3A_117 = arith.addf %scan3A_105, %mul3A_116 : vector<16xf32>
      %gather3A_118 = tpu.vector_load_idx %arg7[%add3A_17, %broadcast_in_dim3A_112] : memref<128x128xf32, #tpu.memory_space<vmem>>[vector<16xi32>, vector<16xi32>], vector<16xf32>,
      %mul3A_119 = arith.mulf %gather3A_118, %gather3A_118 : vector<16xf32>
      %add3A_120 = arith.addf %scan3A_106, %mul3A_119 : vector<16xf32>
      %gather3A_121 = tpu.vector_load_idx %arg7[%add3A_21, %broadcast_in_dim3A_112] : memref<128x128xf32, #tpu.memory_space<vmem>>[vector<16xi32>, vector<16xi32>], vector<16xf32>,
      %mul3A_122 = arith.mulf %gather3A_121, %gather3A_121 : vector<16xf32>
      %add3A_123 = arith.addf %scan3A_107, %mul3A_122 : vector<16xf32>
      %gather3A_124 = tpu.vector_load_idx %arg7[%add3A_25, %broadcast_in_dim3A_112] : memref<128x128xf32, #tpu.memory_space<vmem>>[vector<16xi32>, vector<16xi32>], vector<16xf32>,
      %mul3A_125 = arith.mulf %gather3A_124, %gather3A_124 : vector<16xf32>
      %add3A_126 = arith.addf %scan3A_108, %mul3A_125 : vector<16xf32>
      %gather3A_127 = tpu.vector_load_idx %arg7[%add3A_29, %broadcast_in_dim3A_112] : memref<128x128xf32, #tpu.memory_space<vmem>>[vector<16xi32>, vector<16xi32>], vector<16xf32>,
      %mul3A_128 = arith.mulf %gather3A_127, %gather3A_127 : vector<16xf32>
      %add3A_129 = arith.addf %scan3A_109, %mul3A_128 : vector<16xf32>
      %gather3A_130 = tpu.vector_load_idx %arg7[%add3A_33, %broadcast_in_dim3A_112] : memref<128x128xf32, #tpu.memory_space<vmem>>[vector<16xi32>, vector<16xi32>], vector<16xf32>,
      %mul3A_131 = arith.mulf %gather3A_130, %gather3A_130 : vector<16xf32>
      %add3A_132 = arith.addf %scan3A_110, %mul3A_131 : vector<16xf32>
      %gather3A_133 = tpu.vector_load_idx %arg7[%add3A_37, %broadcast_in_dim3A_112] : memref<128x128xf32, #tpu.memory_space<vmem>>[vector<16xi32>, vector<16xi32>], vector<16xf32>,
      %mul3A_134 = arith.mulf %gather3A_133, %gather3A_133 : vector<16xf32>
      %add3A_135 = arith.addf %scan3A_111, %mul3A_134 : vector<16xf32>
      scf.yield %add3A_114, %add3A_117, %add3A_120, %add3A_123, %add3A_126, %add3A_129, %add3A_132, %add3A_135 : vector<16xf32>, vector<16xf32>, vector<16xf32>, vector<16xf32>, vector<16xf32>, vector<16xf32>, vector<16xf32>, vector<16xf32>
    }
    %scan3A_63 = arith.constant 128 : i32
    %mul3A_64 = arith.constant 5.000000e-01 : f32
    %mul3A_65 = vector.broadcast %mul3A_64 : f32 to vector<16xf32>
    %mul3A_66 = arith.mulf %mul3A_65, %scan3A_62#0 : vector<16xf32>
    %swap3A = arith.constant 0 : index
    %swap3A_67 = tpu.vector_load %arg8[%swap3A] {strides = array<i32>} : memref<128xf32, #tpu.memory_space<vmem>>, vector<16xf32>,
    tpu.vector_store %arg8[%swap3A], %mul3A_66 {strides = array<i32>} : memref<128xf32, #tpu.memory_space<vmem>>, vector<16xf32>,
    %mul3A_68 = arith.constant 5.000000e-01 : f32
    %mul3A_69 = vector.broadcast %mul3A_68 : f32 to vector<16xf32>
    %mul3A_70 = arith.mulf %mul3A_69, %scan3A_62#1 : vector<16xf32>
    %swap3A_71 = arith.constant 16 : index
    %swap3A_72 = tpu.vector_load %arg8[%swap3A_71] {strides = array<i32>} : memref<128xf32, #tpu.memory_space<vmem>>, vector<16xf32>,
    tpu.vector_store %arg8[%swap3A_71], %mul3A_70 {strides = array<i32>} : memref<128xf32, #tpu.memory_space<vmem>>, vector<16xf32>,
    %mul3A_73 = arith.constant 5.000000e-01 : f32
    %mul3A_74 = vector.broadcast %mul3A_73 : f32 to vector<16xf32>
    %mul3A_75 = arith.mulf %mul3A_74, %scan3A_62#2 : vector<16xf32>
    %swap3A_76 = arith.constant 32 : index
    %swap3A_77 = tpu.vector_load %arg8[%swap3A_76] {strides = array<i32>} : memref<128xf32, #tpu.memory_space<vmem>>, vector<16xf32>,
    tpu.vector_store %arg8[%swap3A_76], %mul3A_75 {strides = array<i32>} : memref<128xf32, #tpu.memory_space<vmem>>, vector<16xf32>,
    %mul3A_78 = arith.constant 5.000000e-01 : f32
    %mul3A_79 = vector.broadcast %mul3A_78 : f32 to vector<16xf32>
    %mul3A_80 = arith.mulf %mul3A_79, %scan3A_62#3 : vector<16xf32>
    %swap3A_81 = arith.constant 48 : index
    %swap3A_82 = tpu.vector_load %arg8[%swap3A_81] {strides = array<i32>} : memref<128xf32, #tpu.memory_space<vmem>>, vector<16xf32>,
    tpu.vector_store %arg8[%swap3A_81], %mul3A_80 {strides = array<i32>} : memref<128xf32, #tpu.memory_space<vmem>>, vector<16xf32>,
    %mul3A_83 = arith.constant 5.000000e-01 : f32
    %mul3A_84 = vector.broadcast %mul3A_83 : f32 to vector<16xf32>
    %mul3A_85 = arith.mulf %mul3A_84, %scan3A_62#4 : vector<16xf32>
    %swap3A_86 = arith.constant 64 : index
    %swap3A_87 = tpu.vector_load %arg8[%swap3A_86] {strides = array<i32>} : memref<128xf32, #tpu.memory_space<vmem>>, vector<16xf32>,
    tpu.vector_store %arg8[%swap3A_86], %mul3A_85 {strides = array<i32>} : memref<128xf32, #tpu.memory_space<vmem>>, vector<16xf32>,
    %mul3A_88 = arith.constant 5.000000e-01 : f32
    %mul3A_89 = vector.broadcast %mul3A_88 : f32 to vector<16xf32>
    %mul3A_90 = arith.mulf %mul3A_89, %scan3A_62#5 : vector<16xf32>
    %swap3A_91 = arith.constant 80 : index
    %swap3A_92 = tpu.vector_load %arg8[%swap3A_91] {strides = array<i32>} : memref<128xf32, #tpu.memory_space<vmem>>, vector<16xf32>,
    tpu.vector_store %arg8[%swap3A_91], %mul3A_90 {strides = array<i32>} : memref<128xf32, #tpu.memory_space<vmem>>, vector<16xf32>,
    %mul3A_93 = arith.constant 5.000000e-01 : f32
    %mul3A_94 = vector.broadcast %mul3A_93 : f32 to vector<16xf32>
    %mul3A_95 = arith.mulf %mul3A_94, %scan3A_62#6 : vector<16xf32>
    %swap3A_96 = arith.constant 96 : index
    %swap3A_97 = tpu.vector_load %arg8[%swap3A_96] {strides = array<i32>} : memref<128xf32, #tpu.memory_space<vmem>>, vector<16xf32>,
    tpu.vector_store %arg8[%swap3A_96], %mul3A_95 {strides = array<i32>} : memref<128xf32, #tpu.memory_space<vmem>>, vector<16xf32>,
    %mul3A_98 = arith.constant 5.000000e-01 : f32
    %mul3A_99 = vector.broadcast %mul3A_98 : f32 to vector<16xf32>
    %mul3A_100 = arith.mulf %mul3A_99, %scan3A_62#7 : vector<16xf32>
    %swap3A_101 = arith.constant 112 : index
    %swap3A_102 = tpu.vector_load %arg8[%swap3A_101] {strides = array<i32>} : memref<128xf32, #tpu.memory_space<vmem>>, vector<16xf32>,
    tpu.vector_store %arg8[%swap3A_101], %mul3A_100 {strides = array<i32>} : memref<128xf32, #tpu.memory_space<vmem>>, vector<16xf32>,
    "tpu.region"() ({
      %run_scoped3A = tpu.sem_alloc : memref<!tpu.dma_semaphore, #tpu.memory_space<semaphore_mem>>
      %dma_start3A_103 = tpu.memref_slice %arg4[%mul3A_3] : memref<4096xf32, #tpu.memory_space<hbm>> -> memref<128xf32, #tpu.memory_space<hbm>>
      %dma_start3A_104 = tpu.memref_slice %arg4[%mul3A_3] : memref<4096xf32, #tpu.memory_space<hbm>> -> memref<128xf32, #tpu.memory_space<hbm>>
      tpu.enqueue_dma source(%arg8 : memref<128xf32, #tpu.memory_space<vmem>>) target(%dma_start3A_104 : memref<128xf32, #tpu.memory_space<hbm>>) target_semaphore(%run_scoped3A : memref<!tpu.dma_semaphore, #tpu.memory_space<semaphore_mem>>)
      %dma_wait3A_105 = tpu.memref_slice %arg4[%mul3A_3] : memref<4096xf32, #tpu.memory_space<hbm>> -> memref<128xf32, #tpu.memory_space<hbm>>
      %dma_wait3A_106 = tpu.memref_slice %arg4[%mul3A_3] : memref<4096xf32, #tpu.memory_space<hbm>> -> memref<128xf32, #tpu.memory_space<hbm>>
      tpu.wait_dma2 semaphore(%run_scoped3A : memref<!tpu.dma_semaphore, #tpu.memory_space<semaphore_mem>>) src(%arg8 : memref<128xf32, #tpu.memory_space<vmem>>) dst(%dma_wait3A_106 : memref<128xf32, #tpu.memory_space<hbm>>)
      tpu.yield
    }) : () -> ()
    return
  }
}

#map = affine_map<(d0, d1) -> (0, 0)>
#map1 = affine_map<(d0, d1) -> (0)>
module attributes {stable_mosaic.version = 14 : i64} {
  func.func @_fm_sc_b(%arg0: i32, %arg1: i32, %arg2: memref<4096x100xi32, #tpu.memory_space<hbm>>, %arg3: memref<100000xf32, #tpu.memory_space<hbm>>, %arg4: memref<4096xf32, #tpu.memory_space<hbm>>, %arg5: memref<4096xf32, #tpu.memory_space<hbm>>, %arg6: memref<128x100xi32, #tpu.memory_space<vmem>>, %arg7: memref<100x128xi32, #tpu.memory_space<vmem>>, %arg8: memref<100000xf32, #tpu.memory_space<vmem>>, %arg9: memref<128xf32, #tpu.memory_space<vmem>>, %arg10: memref<!tpu.dma_semaphore, #tpu.memory_space<semaphore_mem>>, %arg11: memref<!tpu.dma_semaphore, #tpu.memory_space<semaphore_mem>>, %arg12: memref<!tpu.dma_semaphore, #tpu.memory_space<semaphore_mem>>) attributes {dimension_semantics = [#tpu.dimension_semantics<core_parallel>, #tpu.dimension_semantics<subcore_parallel>], iteration_bounds = array<i64: 2, 16>, scalar_prefetch = 0 : i64, scratch_operands = 7 : i64, tpu.core_type = #tpu.core_type<sc_vector_subcore>, window_params = [{transform_indices = #map}, {transform_indices = #map1}, {transform_indices = #map1}, {transform_indices = #map1}]} {
    %broadcast_in_dim3A = arith.constant 0.000000e+00 : f32
    %broadcast_in_dim3A_0 = vector.broadcast %broadcast_in_dim3A : f32 to vector<16xf32>
    %mul3A = arith.constant 2 : i32
    %mul3A_1 = arith.muli %arg1, %mul3A : i32
    %add3A = arith.addi %mul3A_1, %arg0 : i32
    %mul3A_2 = arith.constant 128 : i32
    %mul3A_3 = arith.muli %add3A, %mul3A_2 : i32
    %dma_start3A = arith.constant 0 : i32
    %dma_start3A_4 = tpu.memref_slice %arg2[%mul3A_3, %dma_start3A] : memref<4096x100xi32, #tpu.memory_space<hbm>> -> memref<128x100xi32, #tpu.memory_space<hbm>>
    %dma_start3A_5 = arith.constant 0 : i32
    %dma_start3A_6 = tpu.memref_slice %arg2[%mul3A_3, %dma_start3A_5] : memref<4096x100xi32, #tpu.memory_space<hbm>> -> memref<128x100xi32, #tpu.memory_space<hbm>>
    tpu.enqueue_dma source(%dma_start3A_6 : memref<128x100xi32, #tpu.memory_space<hbm>>) target(%arg6 : memref<128x100xi32, #tpu.memory_space<vmem>>) target_semaphore(%arg11 : memref<!tpu.dma_semaphore, #tpu.memory_space<semaphore_mem>>)
    %dma_start3A_7 = tpu.memref_slice %arg4[%mul3A_3] : memref<4096xf32, #tpu.memory_space<hbm>> -> memref<128xf32, #tpu.memory_space<hbm>>
    %dma_start3A_8 = tpu.memref_slice %arg4[%mul3A_3] : memref<4096xf32, #tpu.memory_space<hbm>> -> memref<128xf32, #tpu.memory_space<hbm>>
    tpu.enqueue_dma source(%dma_start3A_8 : memref<128xf32, #tpu.memory_space<hbm>>) target(%arg9 : memref<128xf32, #tpu.memory_space<vmem>>) target_semaphore(%arg12 : memref<!tpu.dma_semaphore, #tpu.memory_space<semaphore_mem>>)
    %add3A_9 = arith.constant 0 : i32
    %add3A_10 = arith.addi %add3A, %add3A_9 : i32
    %jit3A = arith.constant 10 : i32
    %eq3A = arith.constant 0 : i32
    %eq3A_11 = arith.cmpi eq, %jit3A, %eq3A : i32
    %jit3A_12 = arith.constant 1 : i32
    %select_n3A = arith.select %eq3A_11, %jit3A_12, %jit3A : i32
    %rem3A = arith.remsi %add3A_10, %select_n3A : i32
    %ne3A = arith.constant 0 : i32
    %ne3A_13 = arith.cmpi ne, %rem3A, %ne3A : i32
    %lt3A = arith.constant 0 : i32
    %lt3A_14 = arith.cmpi slt, %rem3A, %lt3A : i32
    %lt3A_15 = arith.constant 0 : i32
    %lt3A_16 = arith.cmpi slt, %select_n3A, %lt3A_15 : i32
    %ne3A_17 = arith.xori %lt3A_14, %lt3A_16 : i1
    %and3A = arith.andi %ne3A_17, %ne3A_13 : i1
    %add3A_18 = arith.addi %rem3A, %select_n3A : i32
    %select_n3A_19 = arith.select %and3A, %add3A_18, %rem3A : i32
    %mul3A_20 = arith.constant 10000 : i32
    %mul3A_21 = arith.muli %select_n3A_19, %mul3A_20 : i32
    %mul3A_22 = arith.constant 10000 : i32
    %mul3A_23 = arith.muli %select_n3A_19, %mul3A_22 : i32
    %dma_start3A_24 = tpu.memref_slice %arg8[%mul3A_23] : memref<100000xf32, #tpu.memory_space<vmem>> -> memref<10000xf32, #tpu.memory_space<vmem>>
    %dma_start3A_25 = tpu.memref_slice %arg3[%mul3A_21] : memref<100000xf32, #tpu.memory_space<hbm>> -> memref<10000xf32, #tpu.memory_space<hbm>>
    %dma_start3A_26 = tpu.memref_slice %arg8[%mul3A_23] : memref<100000xf32, #tpu.memory_space<vmem>> -> memref<10000xf32, #tpu.memory_space<vmem>>
    %dma_start3A_27 = tpu.memref_slice %arg3[%mul3A_21] : memref<100000xf32, #tpu.memory_space<hbm>> -> memref<10000xf32, #tpu.memory_space<hbm>>
    tpu.enqueue_dma source(%dma_start3A_27 : memref<10000xf32, #tpu.memory_space<hbm>>) target(%dma_start3A_26 : memref<10000xf32, #tpu.memory_space<vmem>>) target_semaphore(%arg10 : memref<!tpu.dma_semaphore, #tpu.memory_space<semaphore_mem>>)
    %add3A_28 = arith.constant 1 : i32
    %add3A_29 = arith.addi %add3A, %add3A_28 : i32
    %jit3A_30 = arith.constant 10 : i32
    %eq3A_31 = arith.constant 0 : i32
    %eq3A_32 = arith.cmpi eq, %jit3A_30, %eq3A_31 : i32
    %jit3A_33 = arith.constant 1 : i32
    %select_n3A_34 = arith.select %eq3A_32, %jit3A_33, %jit3A_30 : i32
    %rem3A_35 = arith.remsi %add3A_29, %select_n3A_34 : i32
    %ne3A_36 = arith.constant 0 : i32
    %ne3A_37 = arith.cmpi ne, %rem3A_35, %ne3A_36 : i32
    %lt3A_38 = arith.constant 0 : i32
    %lt3A_39 = arith.cmpi slt, %rem3A_35, %lt3A_38 : i32
    %lt3A_40 = arith.constant 0 : i32
    %lt3A_41 = arith.cmpi slt, %select_n3A_34, %lt3A_40 : i32
    %ne3A_42 = arith.xori %lt3A_39, %lt3A_41 : i1
    %and3A_43 = arith.andi %ne3A_42, %ne3A_37 : i1
    %add3A_44 = arith.addi %rem3A_35, %select_n3A_34 : i32
    %select_n3A_45 = arith.select %and3A_43, %add3A_44, %rem3A_35 : i32
    %mul3A_46 = arith.constant 10000 : i32
    %mul3A_47 = arith.muli %select_n3A_45, %mul3A_46 : i32
    %mul3A_48 = arith.constant 10000 : i32
    %mul3A_49 = arith.muli %select_n3A_45, %mul3A_48 : i32
    %dma_start3A_50 = tpu.memref_slice %arg8[%mul3A_49] : memref<100000xf32, #tpu.memory_space<vmem>> -> memref<10000xf32, #tpu.memory_space<vmem>>
    %dma_start3A_51 = tpu.memref_slice %arg3[%mul3A_47] : memref<100000xf32, #tpu.memory_space<hbm>> -> memref<10000xf32, #tpu.memory_space<hbm>>
    %dma_start3A_52 = tpu.memref_slice %arg8[%mul3A_49] : memref<100000xf32, #tpu.memory_space<vmem>> -> memref<10000xf32, #tpu.memory_space<vmem>>
    %dma_start3A_53 = tpu.memref_slice %arg3[%mul3A_47] : memref<100000xf32, #tpu.memory_space<hbm>> -> memref<10000xf32, #tpu.memory_space<hbm>>
    tpu.enqueue_dma source(%dma_start3A_53 : memref<10000xf32, #tpu.memory_space<hbm>>) target(%dma_start3A_52 : memref<10000xf32, #tpu.memory_space<vmem>>) target_semaphore(%arg10 : memref<!tpu.dma_semaphore, #tpu.memory_space<semaphore_mem>>)
    %add3A_54 = arith.constant 2 : i32
    %add3A_55 = arith.addi %add3A, %add3A_54 : i32
    %jit3A_56 = arith.constant 10 : i32
    %eq3A_57 = arith.constant 0 : i32
    %eq3A_58 = arith.cmpi eq, %jit3A_56, %eq3A_57 : i32
    %jit3A_59 = arith.constant 1 : i32
    %select_n3A_60 = arith.select %eq3A_58, %jit3A_59, %jit3A_56 : i32
    %rem3A_61 = arith.remsi %add3A_55, %select_n3A_60 : i32
    %ne3A_62 = arith.constant 0 : i32
    %ne3A_63 = arith.cmpi ne, %rem3A_61, %ne3A_62 : i32
    %lt3A_64 = arith.constant 0 : i32
    %lt3A_65 = arith.cmpi slt, %rem3A_61, %lt3A_64 : i32
    %lt3A_66 = arith.constant 0 : i32
    %lt3A_67 = arith.cmpi slt, %select_n3A_60, %lt3A_66 : i32
    %ne3A_68 = arith.xori %lt3A_65, %lt3A_67 : i1
    %and3A_69 = arith.andi %ne3A_68, %ne3A_63 : i1
    %add3A_70 = arith.addi %rem3A_61, %select_n3A_60 : i32
    %select_n3A_71 = arith.select %and3A_69, %add3A_70, %rem3A_61 : i32
    %mul3A_72 = arith.constant 10000 : i32
    %mul3A_73 = arith.muli %select_n3A_71, %mul3A_72 : i32
    %mul3A_74 = arith.constant 10000 : i32
    %mul3A_75 = arith.muli %select_n3A_71, %mul3A_74 : i32
    %dma_start3A_76 = tpu.memref_slice %arg8[%mul3A_75] : memref<100000xf32, #tpu.memory_space<vmem>> -> memref<10000xf32, #tpu.memory_space<vmem>>
    %dma_start3A_77 = tpu.memref_slice %arg3[%mul3A_73] : memref<100000xf32, #tpu.memory_space<hbm>> -> memref<10000xf32, #tpu.memory_space<hbm>>
    %dma_start3A_78 = tpu.memref_slice %arg8[%mul3A_75] : memref<100000xf32, #tpu.memory_space<vmem>> -> memref<10000xf32, #tpu.memory_space<vmem>>
    %dma_start3A_79 = tpu.memref_slice %arg3[%mul3A_73] : memref<100000xf32, #tpu.memory_space<hbm>> -> memref<10000xf32, #tpu.memory_space<hbm>>
    tpu.enqueue_dma source(%dma_start3A_79 : memref<10000xf32, #tpu.memory_space<hbm>>) target(%dma_start3A_78 : memref<10000xf32, #tpu.memory_space<vmem>>) target_semaphore(%arg10 : memref<!tpu.dma_semaphore, #tpu.memory_space<semaphore_mem>>)
    %add3A_80 = arith.constant 3 : i32
    %add3A_81 = arith.addi %add3A, %add3A_80 : i32
    %jit3A_82 = arith.constant 10 : i32
    %eq3A_83 = arith.constant 0 : i32
    %eq3A_84 = arith.cmpi eq, %jit3A_82, %eq3A_83 : i32
    %jit3A_85 = arith.constant 1 : i32
    %select_n3A_86 = arith.select %eq3A_84, %jit3A_85, %jit3A_82 : i32
    %rem3A_87 = arith.remsi %add3A_81, %select_n3A_86 : i32
    %ne3A_88 = arith.constant 0 : i32
    %ne3A_89 = arith.cmpi ne, %rem3A_87, %ne3A_88 : i32
    %lt3A_90 = arith.constant 0 : i32
    %lt3A_91 = arith.cmpi slt, %rem3A_87, %lt3A_90 : i32
    %lt3A_92 = arith.constant 0 : i32
    %lt3A_93 = arith.cmpi slt, %select_n3A_86, %lt3A_92 : i32
    %ne3A_94 = arith.xori %lt3A_91, %lt3A_93 : i1
    %and3A_95 = arith.andi %ne3A_94, %ne3A_89 : i1
    %add3A_96 = arith.addi %rem3A_87, %select_n3A_86 : i32
    %select_n3A_97 = arith.select %and3A_95, %add3A_96, %rem3A_87 : i32
    %mul3A_98 = arith.constant 10000 : i32
    %mul3A_99 = arith.muli %select_n3A_97, %mul3A_98 : i32
    %mul3A_100 = arith.constant 10000 : i32
    %mul3A_101 = arith.muli %select_n3A_97, %mul3A_100 : i32
    %dma_start3A_102 = tpu.memref_slice %arg8[%mul3A_101] : memref<100000xf32, #tpu.memory_space<vmem>> -> memref<10000xf32, #tpu.memory_space<vmem>>
    %dma_start3A_103 = tpu.memref_slice %arg3[%mul3A_99] : memref<100000xf32, #tpu.memory_space<hbm>> -> memref<10000xf32, #tpu.memory_space<hbm>>
    %dma_start3A_104 = tpu.memref_slice %arg8[%mul3A_101] : memref<100000xf32, #tpu.memory_space<vmem>> -> memref<10000xf32, #tpu.memory_space<vmem>>
    %dma_start3A_105 = tpu.memref_slice %arg3[%mul3A_99] : memref<100000xf32, #tpu.memory_space<hbm>> -> memref<10000xf32, #tpu.memory_space<hbm>>
    tpu.enqueue_dma source(%dma_start3A_105 : memref<10000xf32, #tpu.memory_space<hbm>>) target(%dma_start3A_104 : memref<10000xf32, #tpu.memory_space<vmem>>) target_semaphore(%arg10 : memref<!tpu.dma_semaphore, #tpu.memory_space<semaphore_mem>>)
    %add3A_106 = arith.constant 4 : i32
    %add3A_107 = arith.addi %add3A, %add3A_106 : i32
    %jit3A_108 = arith.constant 10 : i32
    %eq3A_109 = arith.constant 0 : i32
    %eq3A_110 = arith.cmpi eq, %jit3A_108, %eq3A_109 : i32
    %jit3A_111 = arith.constant 1 : i32
    %select_n3A_112 = arith.select %eq3A_110, %jit3A_111, %jit3A_108 : i32
    %rem3A_113 = arith.remsi %add3A_107, %select_n3A_112 : i32
    %ne3A_114 = arith.constant 0 : i32
    %ne3A_115 = arith.cmpi ne, %rem3A_113, %ne3A_114 : i32
    %lt3A_116 = arith.constant 0 : i32
    %lt3A_117 = arith.cmpi slt, %rem3A_113, %lt3A_116 : i32
    %lt3A_118 = arith.constant 0 : i32
    %lt3A_119 = arith.cmpi slt, %select_n3A_112, %lt3A_118 : i32
    %ne3A_120 = arith.xori %lt3A_117, %lt3A_119 : i1
    %and3A_121 = arith.andi %ne3A_120, %ne3A_115 : i1
    %add3A_122 = arith.addi %rem3A_113, %select_n3A_112 : i32
    %select_n3A_123 = arith.select %and3A_121, %add3A_122, %rem3A_113 : i32
    %mul3A_124 = arith.constant 10000 : i32
    %mul3A_125 = arith.muli %select_n3A_123, %mul3A_124 : i32
    %mul3A_126 = arith.constant 10000 : i32
    %mul3A_127 = arith.muli %select_n3A_123, %mul3A_126 : i32
    %dma_start3A_128 = tpu.memref_slice %arg8[%mul3A_127] : memref<100000xf32, #tpu.memory_space<vmem>> -> memref<10000xf32, #tpu.memory_space<vmem>>
    %dma_start3A_129 = tpu.memref_slice %arg3[%mul3A_125] : memref<100000xf32, #tpu.memory_space<hbm>> -> memref<10000xf32, #tpu.memory_space<hbm>>
    %dma_start3A_130 = tpu.memref_slice %arg8[%mul3A_127] : memref<100000xf32, #tpu.memory_space<vmem>> -> memref<10000xf32, #tpu.memory_space<vmem>>
    %dma_start3A_131 = tpu.memref_slice %arg3[%mul3A_125] : memref<100000xf32, #tpu.memory_space<hbm>> -> memref<10000xf32, #tpu.memory_space<hbm>>
    tpu.enqueue_dma source(%dma_start3A_131 : memref<10000xf32, #tpu.memory_space<hbm>>) target(%dma_start3A_130 : memref<10000xf32, #tpu.memory_space<vmem>>) target_semaphore(%arg10 : memref<!tpu.dma_semaphore, #tpu.memory_space<semaphore_mem>>)
    %add3A_132 = arith.constant 5 : i32
    %add3A_133 = arith.addi %add3A, %add3A_132 : i32
    %jit3A_134 = arith.constant 10 : i32
    %eq3A_135 = arith.constant 0 : i32
    %eq3A_136 = arith.cmpi eq, %jit3A_134, %eq3A_135 : i32
    %jit3A_137 = arith.constant 1 : i32
    %select_n3A_138 = arith.select %eq3A_136, %jit3A_137, %jit3A_134 : i32
    %rem3A_139 = arith.remsi %add3A_133, %select_n3A_138 : i32
    %ne3A_140 = arith.constant 0 : i32
    %ne3A_141 = arith.cmpi ne, %rem3A_139, %ne3A_140 : i32
    %lt3A_142 = arith.constant 0 : i32
    %lt3A_143 = arith.cmpi slt, %rem3A_139, %lt3A_142 : i32
    %lt3A_144 = arith.constant 0 : i32
    %lt3A_145 = arith.cmpi slt, %select_n3A_138, %lt3A_144 : i32
    %ne3A_146 = arith.xori %lt3A_143, %lt3A_145 : i1
    %and3A_147 = arith.andi %ne3A_146, %ne3A_141 : i1
    %add3A_148 = arith.addi %rem3A_139, %select_n3A_138 : i32
    %select_n3A_149 = arith.select %and3A_147, %add3A_148, %rem3A_139 : i32
    %mul3A_150 = arith.constant 10000 : i32
    %mul3A_151 = arith.muli %select_n3A_149, %mul3A_150 : i32
    %mul3A_152 = arith.constant 10000 : i32
    %mul3A_153 = arith.muli %select_n3A_149, %mul3A_152 : i32
    %dma_start3A_154 = tpu.memref_slice %arg8[%mul3A_153] : memref<100000xf32, #tpu.memory_space<vmem>> -> memref<10000xf32, #tpu.memory_space<vmem>>
    %dma_start3A_155 = tpu.memref_slice %arg3[%mul3A_151] : memref<100000xf32, #tpu.memory_space<hbm>> -> memref<10000xf32, #tpu.memory_space<hbm>>
    %dma_start3A_156 = tpu.memref_slice %arg8[%mul3A_153] : memref<100000xf32, #tpu.memory_space<vmem>> -> memref<10000xf32, #tpu.memory_space<vmem>>
    %dma_start3A_157 = tpu.memref_slice %arg3[%mul3A_151] : memref<100000xf32, #tpu.memory_space<hbm>> -> memref<10000xf32, #tpu.memory_space<hbm>>
    tpu.enqueue_dma source(%dma_start3A_157 : memref<10000xf32, #tpu.memory_space<hbm>>) target(%dma_start3A_156 : memref<10000xf32, #tpu.memory_space<vmem>>) target_semaphore(%arg10 : memref<!tpu.dma_semaphore, #tpu.memory_space<semaphore_mem>>)
    %add3A_158 = arith.constant 6 : i32
    %add3A_159 = arith.addi %add3A, %add3A_158 : i32
    %jit3A_160 = arith.constant 10 : i32
    %eq3A_161 = arith.constant 0 : i32
    %eq3A_162 = arith.cmpi eq, %jit3A_160, %eq3A_161 : i32
    %jit3A_163 = arith.constant 1 : i32
    %select_n3A_164 = arith.select %eq3A_162, %jit3A_163, %jit3A_160 : i32
    %rem3A_165 = arith.remsi %add3A_159, %select_n3A_164 : i32
    %ne3A_166 = arith.constant 0 : i32
    %ne3A_167 = arith.cmpi ne, %rem3A_165, %ne3A_166 : i32
    %lt3A_168 = arith.constant 0 : i32
    %lt3A_169 = arith.cmpi slt, %rem3A_165, %lt3A_168 : i32
    %lt3A_170 = arith.constant 0 : i32
    %lt3A_171 = arith.cmpi slt, %select_n3A_164, %lt3A_170 : i32
    %ne3A_172 = arith.xori %lt3A_169, %lt3A_171 : i1
    %and3A_173 = arith.andi %ne3A_172, %ne3A_167 : i1
    %add3A_174 = arith.addi %rem3A_165, %select_n3A_164 : i32
    %select_n3A_175 = arith.select %and3A_173, %add3A_174, %rem3A_165 : i32
    %mul3A_176 = arith.constant 10000 : i32
    %mul3A_177 = arith.muli %select_n3A_175, %mul3A_176 : i32
    %mul3A_178 = arith.constant 10000 : i32
    %mul3A_179 = arith.muli %select_n3A_175, %mul3A_178 : i32
    %dma_start3A_180 = tpu.memref_slice %arg8[%mul3A_179] : memref<100000xf32, #tpu.memory_space<vmem>> -> memref<10000xf32, #tpu.memory_space<vmem>>
    %dma_start3A_181 = tpu.memref_slice %arg3[%mul3A_177] : memref<100000xf32, #tpu.memory_space<hbm>> -> memref<10000xf32, #tpu.memory_space<hbm>>
    %dma_start3A_182 = tpu.memref_slice %arg8[%mul3A_179] : memref<100000xf32, #tpu.memory_space<vmem>> -> memref<10000xf32, #tpu.memory_space<vmem>>
    %dma_start3A_183 = tpu.memref_slice %arg3[%mul3A_177] : memref<100000xf32, #tpu.memory_space<hbm>> -> memref<10000xf32, #tpu.memory_space<hbm>>
    tpu.enqueue_dma source(%dma_start3A_183 : memref<10000xf32, #tpu.memory_space<hbm>>) target(%dma_start3A_182 : memref<10000xf32, #tpu.memory_space<vmem>>) target_semaphore(%arg10 : memref<!tpu.dma_semaphore, #tpu.memory_space<semaphore_mem>>)
    %add3A_184 = arith.constant 7 : i32
    %add3A_185 = arith.addi %add3A, %add3A_184 : i32
    %jit3A_186 = arith.constant 10 : i32
    %eq3A_187 = arith.constant 0 : i32
    %eq3A_188 = arith.cmpi eq, %jit3A_186, %eq3A_187 : i32
    %jit3A_189 = arith.constant 1 : i32
    %select_n3A_190 = arith.select %eq3A_188, %jit3A_189, %jit3A_186 : i32
    %rem3A_191 = arith.remsi %add3A_185, %select_n3A_190 : i32
    %ne3A_192 = arith.constant 0 : i32
    %ne3A_193 = arith.cmpi ne, %rem3A_191, %ne3A_192 : i32
    %lt3A_194 = arith.constant 0 : i32
    %lt3A_195 = arith.cmpi slt, %rem3A_191, %lt3A_194 : i32
    %lt3A_196 = arith.constant 0 : i32
    %lt3A_197 = arith.cmpi slt, %select_n3A_190, %lt3A_196 : i32
    %ne3A_198 = arith.xori %lt3A_195, %lt3A_197 : i1
    %and3A_199 = arith.andi %ne3A_198, %ne3A_193 : i1
    %add3A_200 = arith.addi %rem3A_191, %select_n3A_190 : i32
    %select_n3A_201 = arith.select %and3A_199, %add3A_200, %rem3A_191 : i32
    %mul3A_202 = arith.constant 10000 : i32
    %mul3A_203 = arith.muli %select_n3A_201, %mul3A_202 : i32
    %mul3A_204 = arith.constant 10000 : i32
    %mul3A_205 = arith.muli %select_n3A_201, %mul3A_204 : i32
    %dma_start3A_206 = tpu.memref_slice %arg8[%mul3A_205] : memref<100000xf32, #tpu.memory_space<vmem>> -> memref<10000xf32, #tpu.memory_space<vmem>>
    %dma_start3A_207 = tpu.memref_slice %arg3[%mul3A_203] : memref<100000xf32, #tpu.memory_space<hbm>> -> memref<10000xf32, #tpu.memory_space<hbm>>
    %dma_start3A_208 = tpu.memref_slice %arg8[%mul3A_205] : memref<100000xf32, #tpu.memory_space<vmem>> -> memref<10000xf32, #tpu.memory_space<vmem>>
    %dma_start3A_209 = tpu.memref_slice %arg3[%mul3A_203] : memref<100000xf32, #tpu.memory_space<hbm>> -> memref<10000xf32, #tpu.memory_space<hbm>>
    tpu.enqueue_dma source(%dma_start3A_209 : memref<10000xf32, #tpu.memory_space<hbm>>) target(%dma_start3A_208 : memref<10000xf32, #tpu.memory_space<vmem>>) target_semaphore(%arg10 : memref<!tpu.dma_semaphore, #tpu.memory_space<semaphore_mem>>)
    %add3A_210 = arith.constant 8 : i32
    %add3A_211 = arith.addi %add3A, %add3A_210 : i32
    %jit3A_212 = arith.constant 10 : i32
    %eq3A_213 = arith.constant 0 : i32
    %eq3A_214 = arith.cmpi eq, %jit3A_212, %eq3A_213 : i32
    %jit3A_215 = arith.constant 1 : i32
    %select_n3A_216 = arith.select %eq3A_214, %jit3A_215, %jit3A_212 : i32
    %rem3A_217 = arith.remsi %add3A_211, %select_n3A_216 : i32
    %ne3A_218 = arith.constant 0 : i32
    %ne3A_219 = arith.cmpi ne, %rem3A_217, %ne3A_218 : i32
    %lt3A_220 = arith.constant 0 : i32
    %lt3A_221 = arith.cmpi slt, %rem3A_217, %lt3A_220 : i32
    %lt3A_222 = arith.constant 0 : i32
    %lt3A_223 = arith.cmpi slt, %select_n3A_216, %lt3A_222 : i32
    %ne3A_224 = arith.xori %lt3A_221, %lt3A_223 : i1
    %and3A_225 = arith.andi %ne3A_224, %ne3A_219 : i1
    %add3A_226 = arith.addi %rem3A_217, %select_n3A_216 : i32
    %select_n3A_227 = arith.select %and3A_225, %add3A_226, %rem3A_217 : i32
    %mul3A_228 = arith.constant 10000 : i32
    %mul3A_229 = arith.muli %select_n3A_227, %mul3A_228 : i32
    %mul3A_230 = arith.constant 10000 : i32
    %mul3A_231 = arith.muli %select_n3A_227, %mul3A_230 : i32
    %dma_start3A_232 = tpu.memref_slice %arg8[%mul3A_231] : memref<100000xf32, #tpu.memory_space<vmem>> -> memref<10000xf32, #tpu.memory_space<vmem>>
    %dma_start3A_233 = tpu.memref_slice %arg3[%mul3A_229] : memref<100000xf32, #tpu.memory_space<hbm>> -> memref<10000xf32, #tpu.memory_space<hbm>>
    %dma_start3A_234 = tpu.memref_slice %arg8[%mul3A_231] : memref<100000xf32, #tpu.memory_space<vmem>> -> memref<10000xf32, #tpu.memory_space<vmem>>
    %dma_start3A_235 = tpu.memref_slice %arg3[%mul3A_229] : memref<100000xf32, #tpu.memory_space<hbm>> -> memref<10000xf32, #tpu.memory_space<hbm>>
    tpu.enqueue_dma source(%dma_start3A_235 : memref<10000xf32, #tpu.memory_space<hbm>>) target(%dma_start3A_234 : memref<10000xf32, #tpu.memory_space<vmem>>) target_semaphore(%arg10 : memref<!tpu.dma_semaphore, #tpu.memory_space<semaphore_mem>>)
    %add3A_236 = arith.constant 9 : i32
    %add3A_237 = arith.addi %add3A, %add3A_236 : i32
    %jit3A_238 = arith.constant 10 : i32
    %eq3A_239 = arith.constant 0 : i32
    %eq3A_240 = arith.cmpi eq, %jit3A_238, %eq3A_239 : i32
    %jit3A_241 = arith.constant 1 : i32
    %select_n3A_242 = arith.select %eq3A_240, %jit3A_241, %jit3A_238 : i32
    %rem3A_243 = arith.remsi %add3A_237, %select_n3A_242 : i32
    %ne3A_244 = arith.constant 0 : i32
    %ne3A_245 = arith.cmpi ne, %rem3A_243, %ne3A_244 : i32
    %lt3A_246 = arith.constant 0 : i32
    %lt3A_247 = arith.cmpi slt, %rem3A_243, %lt3A_246 : i32
    %lt3A_248 = arith.constant 0 : i32
    %lt3A_249 = arith.cmpi slt, %select_n3A_242, %lt3A_248 : i32
    %ne3A_250 = arith.xori %lt3A_247, %lt3A_249 : i1
    %and3A_251 = arith.andi %ne3A_250, %ne3A_245 : i1
    %add3A_252 = arith.addi %rem3A_243, %select_n3A_242 : i32
    %select_n3A_253 = arith.select %and3A_251, %add3A_252, %rem3A_243 : i32
    %mul3A_254 = arith.constant 10000 : i32
    %mul3A_255 = arith.muli %select_n3A_253, %mul3A_254 : i32
    %mul3A_256 = arith.constant 10000 : i32
    %mul3A_257 = arith.muli %select_n3A_253, %mul3A_256 : i32
    %dma_start3A_258 = tpu.memref_slice %arg8[%mul3A_257] : memref<100000xf32, #tpu.memory_space<vmem>> -> memref<10000xf32, #tpu.memory_space<vmem>>
    %dma_start3A_259 = tpu.memref_slice %arg3[%mul3A_255] : memref<100000xf32, #tpu.memory_space<hbm>> -> memref<10000xf32, #tpu.memory_space<hbm>>
    %dma_start3A_260 = tpu.memref_slice %arg8[%mul3A_257] : memref<100000xf32, #tpu.memory_space<vmem>> -> memref<10000xf32, #tpu.memory_space<vmem>>
    %dma_start3A_261 = tpu.memref_slice %arg3[%mul3A_255] : memref<100000xf32, #tpu.memory_space<hbm>> -> memref<10000xf32, #tpu.memory_space<hbm>>
    tpu.enqueue_dma source(%dma_start3A_261 : memref<10000xf32, #tpu.memory_space<hbm>>) target(%dma_start3A_260 : memref<10000xf32, #tpu.memory_space<vmem>>) target_semaphore(%arg10 : memref<!tpu.dma_semaphore, #tpu.memory_space<semaphore_mem>>)
    %dma_wait3A = arith.constant 0 : i32
    %dma_wait3A_262 = tpu.memref_slice %arg2[%mul3A_3, %dma_wait3A] : memref<4096x100xi32, #tpu.memory_space<hbm>> -> memref<128x100xi32, #tpu.memory_space<hbm>>
    %dma_wait3A_263 = arith.constant 0 : i32
    %dma_wait3A_264 = tpu.memref_slice %arg2[%mul3A_3, %dma_wait3A_263] : memref<4096x100xi32, #tpu.memory_space<hbm>> -> memref<128x100xi32, #tpu.memory_space<hbm>>
    tpu.wait_dma2 semaphore(%arg11 : memref<!tpu.dma_semaphore, #tpu.memory_space<semaphore_mem>>) src(%dma_wait3A_264 : memref<128x100xi32, #tpu.memory_space<hbm>>) dst(%arg6 : memref<128x100xi32, #tpu.memory_space<vmem>>)
    %dma_wait3A_265 = tpu.memref_slice %arg4[%mul3A_3] : memref<4096xf32, #tpu.memory_space<hbm>> -> memref<128xf32, #tpu.memory_space<hbm>>
    %dma_wait3A_266 = tpu.memref_slice %arg4[%mul3A_3] : memref<4096xf32, #tpu.memory_space<hbm>> -> memref<128xf32, #tpu.memory_space<hbm>>
    tpu.wait_dma2 semaphore(%arg12 : memref<!tpu.dma_semaphore, #tpu.memory_space<semaphore_mem>>) src(%dma_wait3A_266 : memref<128xf32, #tpu.memory_space<hbm>>) dst(%arg9 : memref<128xf32, #tpu.memory_space<vmem>>)
    %iota3A = tpu.iota {dimensions = array<i32: 0>} : vector<16xi32>
    %add3A_267 = arith.constant 0 : i32
    %add3A_268 = vector.broadcast %add3A_267 : i32 to vector<16xi32>
    %add3A_269 = arith.addi %iota3A, %add3A_268 : vector<16xi32>
    %iota3A_270 = tpu.iota {dimensions = array<i32: 0>} : vector<16xi32>
    %add3A_271 = arith.constant 16 : i32
    %add3A_272 = vector.broadcast %add3A_271 : i32 to vector<16xi32>
    %add3A_273 = arith.addi %iota3A_270, %add3A_272 : vector<16xi32>
    %iota3A_274 = tpu.iota {dimensions = array<i32: 0>} : vector<16xi32>
    %add3A_275 = arith.constant 32 : i32
    %add3A_276 = vector.broadcast %add3A_275 : i32 to vector<16xi32>
    %add3A_277 = arith.addi %iota3A_274, %add3A_276 : vector<16xi32>
    %iota3A_278 = tpu.iota {dimensions = array<i32: 0>} : vector<16xi32>
    %add3A_279 = arith.constant 48 : i32
    %add3A_280 = vector.broadcast %add3A_279 : i32 to vector<16xi32>
    %add3A_281 = arith.addi %iota3A_278, %add3A_280 : vector<16xi32>
    %iota3A_282 = tpu.iota {dimensions = array<i32: 0>} : vector<16xi32>
    %add3A_283 = arith.constant 64 : i32
    %add3A_284 = vector.broadcast %add3A_283 : i32 to vector<16xi32>
    %add3A_285 = arith.addi %iota3A_282, %add3A_284 : vector<16xi32>
    %iota3A_286 = tpu.iota {dimensions = array<i32: 0>} : vector<16xi32>
    %add3A_287 = arith.constant 80 : i32
    %add3A_288 = vector.broadcast %add3A_287 : i32 to vector<16xi32>
    %add3A_289 = arith.addi %iota3A_286, %add3A_288 : vector<16xi32>
    %iota3A_290 = tpu.iota {dimensions = array<i32: 0>} : vector<16xi32>
    %add3A_291 = arith.constant 96 : i32
    %add3A_292 = vector.broadcast %add3A_291 : i32 to vector<16xi32>
    %add3A_293 = arith.addi %iota3A_290, %add3A_292 : vector<16xi32>
    %iota3A_294 = tpu.iota {dimensions = array<i32: 0>} : vector<16xi32>
    %add3A_295 = arith.constant 112 : i32
    %add3A_296 = vector.broadcast %add3A_295 : i32 to vector<16xi32>
    %add3A_297 = arith.addi %iota3A_294, %add3A_296 : vector<16xi32>
    %scan3A = arith.constant 0 : i32
    %scan3A_298 = arith.constant 0 : i32
    %scan3A_299 = arith.constant 100 : i32
    %scan3A_300 = arith.addi %scan3A_298, %scan3A_299 : i32
    %scan3A_301 = arith.constant 1 : i32
    scf.for %scan3A_427 = %scan3A_298 to %scan3A_300 step %scan3A_301  : i32 {
      %broadcast_in_dim3A_428 = vector.broadcast %scan3A_427 : i32 to vector<16xi32>
      %gather3A = tpu.vector_load_idx %arg6[%add3A_269, %broadcast_in_dim3A_428] : memref<128x100xi32, #tpu.memory_space<vmem>>[vector<16xi32>, vector<16xi32>], vector<16xi32>,
      %swap3A_429 = arith.index_cast %scan3A_427 : i32 to index
      %swap3A_430 = arith.constant 0 : index
      %swap3A_431 = tpu.vector_load %arg7[%swap3A_429, %swap3A_430] {strides = array<i32>} : memref<100x128xi32, #tpu.memory_space<vmem>>, vector<16xi32>,
      tpu.vector_store %arg7[%swap3A_429, %swap3A_430], %gather3A {strides = array<i32>} : memref<100x128xi32, #tpu.memory_space<vmem>>, vector<16xi32>,
      %gather3A_432 = tpu.vector_load_idx %arg6[%add3A_273, %broadcast_in_dim3A_428] : memref<128x100xi32, #tpu.memory_space<vmem>>[vector<16xi32>, vector<16xi32>], vector<16xi32>,
      %swap3A_433 = arith.index_cast %scan3A_427 : i32 to index
      %swap3A_434 = arith.constant 16 : index
      %swap3A_435 = tpu.vector_load %arg7[%swap3A_433, %swap3A_434] {strides = array<i32>} : memref<100x128xi32, #tpu.memory_space<vmem>>, vector<16xi32>,
      tpu.vector_store %arg7[%swap3A_433, %swap3A_434], %gather3A_432 {strides = array<i32>} : memref<100x128xi32, #tpu.memory_space<vmem>>, vector<16xi32>,
      %gather3A_436 = tpu.vector_load_idx %arg6[%add3A_277, %broadcast_in_dim3A_428] : memref<128x100xi32, #tpu.memory_space<vmem>>[vector<16xi32>, vector<16xi32>], vector<16xi32>,
      %swap3A_437 = arith.index_cast %scan3A_427 : i32 to index
      %swap3A_438 = arith.constant 32 : index
      %swap3A_439 = tpu.vector_load %arg7[%swap3A_437, %swap3A_438] {strides = array<i32>} : memref<100x128xi32, #tpu.memory_space<vmem>>, vector<16xi32>,
      tpu.vector_store %arg7[%swap3A_437, %swap3A_438], %gather3A_436 {strides = array<i32>} : memref<100x128xi32, #tpu.memory_space<vmem>>, vector<16xi32>,
      %gather3A_440 = tpu.vector_load_idx %arg6[%add3A_281, %broadcast_in_dim3A_428] : memref<128x100xi32, #tpu.memory_space<vmem>>[vector<16xi32>, vector<16xi32>], vector<16xi32>,
      %swap3A_441 = arith.index_cast %scan3A_427 : i32 to index
      %swap3A_442 = arith.constant 48 : index
      %swap3A_443 = tpu.vector_load %arg7[%swap3A_441, %swap3A_442] {strides = array<i32>} : memref<100x128xi32, #tpu.memory_space<vmem>>, vector<16xi32>,
      tpu.vector_store %arg7[%swap3A_441, %swap3A_442], %gather3A_440 {strides = array<i32>} : memref<100x128xi32, #tpu.memory_space<vmem>>, vector<16xi32>,
      %gather3A_444 = tpu.vector_load_idx %arg6[%add3A_285, %broadcast_in_dim3A_428] : memref<128x100xi32, #tpu.memory_space<vmem>>[vector<16xi32>, vector<16xi32>], vector<16xi32>,
      %swap3A_445 = arith.index_cast %scan3A_427 : i32 to index
      %swap3A_446 = arith.constant 64 : index
      %swap3A_447 = tpu.vector_load %arg7[%swap3A_445, %swap3A_446] {strides = array<i32>} : memref<100x128xi32, #tpu.memory_space<vmem>>, vector<16xi32>,
      tpu.vector_store %arg7[%swap3A_445, %swap3A_446], %gather3A_444 {strides = array<i32>} : memref<100x128xi32, #tpu.memory_space<vmem>>, vector<16xi32>,
      %gather3A_448 = tpu.vector_load_idx %arg6[%add3A_289, %broadcast_in_dim3A_428] : memref<128x100xi32, #tpu.memory_space<vmem>>[vector<16xi32>, vector<16xi32>], vector<16xi32>,
      %swap3A_449 = arith.index_cast %scan3A_427 : i32 to index
      %swap3A_450 = arith.constant 80 : index
      %swap3A_451 = tpu.vector_load %arg7[%swap3A_449, %swap3A_450] {strides = array<i32>} : memref<100x128xi32, #tpu.memory_space<vmem>>, vector<16xi32>,
      tpu.vector_store %arg7[%swap3A_449, %swap3A_450], %gather3A_448 {strides = array<i32>} : memref<100x128xi32, #tpu.memory_space<vmem>>, vector<16xi32>,
      %gather3A_452 = tpu.vector_load_idx %arg6[%add3A_293, %broadcast_in_dim3A_428] : memref<128x100xi32, #tpu.memory_space<vmem>>[vector<16xi32>, vector<16xi32>], vector<16xi32>,
      %swap3A_453 = arith.index_cast %scan3A_427 : i32 to index
      %swap3A_454 = arith.constant 96 : index
      %swap3A_455 = tpu.vector_load %arg7[%swap3A_453, %swap3A_454] {strides = array<i32>} : memref<100x128xi32, #tpu.memory_space<vmem>>, vector<16xi32>,
      tpu.vector_store %arg7[%swap3A_453, %swap3A_454], %gather3A_452 {strides = array<i32>} : memref<100x128xi32, #tpu.memory_space<vmem>>, vector<16xi32>,
      %gather3A_456 = tpu.vector_load_idx %arg6[%add3A_297, %broadcast_in_dim3A_428] : memref<128x100xi32, #tpu.memory_space<vmem>>[vector<16xi32>, vector<16xi32>], vector<16xi32>,
      %swap3A_457 = arith.index_cast %scan3A_427 : i32 to index
      %swap3A_458 = arith.constant 112 : index
      %swap3A_459 = tpu.vector_load %arg7[%swap3A_457, %swap3A_458] {strides = array<i32>} : memref<100x128xi32, #tpu.memory_space<vmem>>, vector<16xi32>,
      tpu.vector_store %arg7[%swap3A_457, %swap3A_458], %gather3A_456 {strides = array<i32>} : memref<100x128xi32, #tpu.memory_space<vmem>>, vector<16xi32>,
    }
    %scan3A_302 = arith.constant 100 : i32
    %dma_wait3A_303 = arith.constant 0 : i32
    %dma_wait3A_304 = tpu.memref_slice %arg8[%dma_wait3A_303] : memref<100000xf32, #tpu.memory_space<vmem>> -> memref<10000xf32, #tpu.memory_space<vmem>>
    %dma_wait3A_305 = arith.constant 0 : i32
    %dma_wait3A_306 = tpu.memref_slice %arg3[%dma_wait3A_305] : memref<100000xf32, #tpu.memory_space<hbm>> -> memref<10000xf32, #tpu.memory_space<hbm>>
    %dma_wait3A_307 = arith.constant 0 : i32
    %dma_wait3A_308 = tpu.memref_slice %arg8[%dma_wait3A_307] : memref<100000xf32, #tpu.memory_space<vmem>> -> memref<10000xf32, #tpu.memory_space<vmem>>
    %dma_wait3A_309 = arith.constant 0 : i32
    %dma_wait3A_310 = tpu.memref_slice %arg3[%dma_wait3A_309] : memref<100000xf32, #tpu.memory_space<hbm>> -> memref<10000xf32, #tpu.memory_space<hbm>>
    tpu.wait_dma2 semaphore(%arg10 : memref<!tpu.dma_semaphore, #tpu.memory_space<semaphore_mem>>) src(%dma_wait3A_310 : memref<10000xf32, #tpu.memory_space<hbm>>) dst(%dma_wait3A_308 : memref<10000xf32, #tpu.memory_space<vmem>>)
    %dma_wait3A_311 = arith.constant 0 : i32
    %dma_wait3A_312 = tpu.memref_slice %arg8[%dma_wait3A_311] : memref<100000xf32, #tpu.memory_space<vmem>> -> memref<10000xf32, #tpu.memory_space<vmem>>
    %dma_wait3A_313 = arith.constant 0 : i32
    %dma_wait3A_314 = tpu.memref_slice %arg3[%dma_wait3A_313] : memref<100000xf32, #tpu.memory_space<hbm>> -> memref<10000xf32, #tpu.memory_space<hbm>>
    %dma_wait3A_315 = arith.constant 0 : i32
    %dma_wait3A_316 = tpu.memref_slice %arg8[%dma_wait3A_315] : memref<100000xf32, #tpu.memory_space<vmem>> -> memref<10000xf32, #tpu.memory_space<vmem>>
    %dma_wait3A_317 = arith.constant 0 : i32
    %dma_wait3A_318 = tpu.memref_slice %arg3[%dma_wait3A_317] : memref<100000xf32, #tpu.memory_space<hbm>> -> memref<10000xf32, #tpu.memory_space<hbm>>
    tpu.wait_dma2 semaphore(%arg10 : memref<!tpu.dma_semaphore, #tpu.memory_space<semaphore_mem>>) src(%dma_wait3A_318 : memref<10000xf32, #tpu.memory_space<hbm>>) dst(%dma_wait3A_316 : memref<10000xf32, #tpu.memory_space<vmem>>)
    %dma_wait3A_319 = arith.constant 0 : i32
    %dma_wait3A_320 = tpu.memref_slice %arg8[%dma_wait3A_319] : memref<100000xf32, #tpu.memory_space<vmem>> -> memref<10000xf32, #tpu.memory_space<vmem>>
    %dma_wait3A_321 = arith.constant 0 : i32
    %dma_wait3A_322 = tpu.memref_slice %arg3[%dma_wait3A_321] : memref<100000xf32, #tpu.memory_space<hbm>> -> memref<10000xf32, #tpu.memory_space<hbm>>
    %dma_wait3A_323 = arith.constant 0 : i32
    %dma_wait3A_324 = tpu.memref_slice %arg8[%dma_wait3A_323] : memref<100000xf32, #tpu.memory_space<vmem>> -> memref<10000xf32, #tpu.memory_space<vmem>>
    %dma_wait3A_325 = arith.constant 0 : i32
    %dma_wait3A_326 = tpu.memref_slice %arg3[%dma_wait3A_325] : memref<100000xf32, #tpu.memory_space<hbm>> -> memref<10000xf32, #tpu.memory_space<hbm>>
    tpu.wait_dma2 semaphore(%arg10 : memref<!tpu.dma_semaphore, #tpu.memory_space<semaphore_mem>>) src(%dma_wait3A_326 : memref<10000xf32, #tpu.memory_space<hbm>>) dst(%dma_wait3A_324 : memref<10000xf32, #tpu.memory_space<vmem>>)
    %dma_wait3A_327 = arith.constant 0 : i32
    %dma_wait3A_328 = tpu.memref_slice %arg8[%dma_wait3A_327] : memref<100000xf32, #tpu.memory_space<vmem>> -> memref<10000xf32, #tpu.memory_space<vmem>>
    %dma_wait3A_329 = arith.constant 0 : i32
    %dma_wait3A_330 = tpu.memref_slice %arg3[%dma_wait3A_329] : memref<100000xf32, #tpu.memory_space<hbm>> -> memref<10000xf32, #tpu.memory_space<hbm>>
    %dma_wait3A_331 = arith.constant 0 : i32
    %dma_wait3A_332 = tpu.memref_slice %arg8[%dma_wait3A_331] : memref<100000xf32, #tpu.memory_space<vmem>> -> memref<10000xf32, #tpu.memory_space<vmem>>
    %dma_wait3A_333 = arith.constant 0 : i32
    %dma_wait3A_334 = tpu.memref_slice %arg3[%dma_wait3A_333] : memref<100000xf32, #tpu.memory_space<hbm>> -> memref<10000xf32, #tpu.memory_space<hbm>>
    tpu.wait_dma2 semaphore(%arg10 : memref<!tpu.dma_semaphore, #tpu.memory_space<semaphore_mem>>) src(%dma_wait3A_334 : memref<10000xf32, #tpu.memory_space<hbm>>) dst(%dma_wait3A_332 : memref<10000xf32, #tpu.memory_space<vmem>>)
    %dma_wait3A_335 = arith.constant 0 : i32
    %dma_wait3A_336 = tpu.memref_slice %arg8[%dma_wait3A_335] : memref<100000xf32, #tpu.memory_space<vmem>> -> memref<10000xf32, #tpu.memory_space<vmem>>
    %dma_wait3A_337 = arith.constant 0 : i32
    %dma_wait3A_338 = tpu.memref_slice %arg3[%dma_wait3A_337] : memref<100000xf32, #tpu.memory_space<hbm>> -> memref<10000xf32, #tpu.memory_space<hbm>>
    %dma_wait3A_339 = arith.constant 0 : i32
    %dma_wait3A_340 = tpu.memref_slice %arg8[%dma_wait3A_339] : memref<100000xf32, #tpu.memory_space<vmem>> -> memref<10000xf32, #tpu.memory_space<vmem>>
    %dma_wait3A_341 = arith.constant 0 : i32
    %dma_wait3A_342 = tpu.memref_slice %arg3[%dma_wait3A_341] : memref<100000xf32, #tpu.memory_space<hbm>> -> memref<10000xf32, #tpu.memory_space<hbm>>
    tpu.wait_dma2 semaphore(%arg10 : memref<!tpu.dma_semaphore, #tpu.memory_space<semaphore_mem>>) src(%dma_wait3A_342 : memref<10000xf32, #tpu.memory_space<hbm>>) dst(%dma_wait3A_340 : memref<10000xf32, #tpu.memory_space<vmem>>)
    %dma_wait3A_343 = arith.constant 0 : i32
    %dma_wait3A_344 = tpu.memref_slice %arg8[%dma_wait3A_343] : memref<100000xf32, #tpu.memory_space<vmem>> -> memref<10000xf32, #tpu.memory_space<vmem>>
    %dma_wait3A_345 = arith.constant 0 : i32
    %dma_wait3A_346 = tpu.memref_slice %arg3[%dma_wait3A_345] : memref<100000xf32, #tpu.memory_space<hbm>> -> memref<10000xf32, #tpu.memory_space<hbm>>
    %dma_wait3A_347 = arith.constant 0 : i32
    %dma_wait3A_348 = tpu.memref_slice %arg8[%dma_wait3A_347] : memref<100000xf32, #tpu.memory_space<vmem>> -> memref<10000xf32, #tpu.memory_space<vmem>>
    %dma_wait3A_349 = arith.constant 0 : i32
    %dma_wait3A_350 = tpu.memref_slice %arg3[%dma_wait3A_349] : memref<100000xf32, #tpu.memory_space<hbm>> -> memref<10000xf32, #tpu.memory_space<hbm>>
    tpu.wait_dma2 semaphore(%arg10 : memref<!tpu.dma_semaphore, #tpu.memory_space<semaphore_mem>>) src(%dma_wait3A_350 : memref<10000xf32, #tpu.memory_space<hbm>>) dst(%dma_wait3A_348 : memref<10000xf32, #tpu.memory_space<vmem>>)
    %dma_wait3A_351 = arith.constant 0 : i32
    %dma_wait3A_352 = tpu.memref_slice %arg8[%dma_wait3A_351] : memref<100000xf32, #tpu.memory_space<vmem>> -> memref<10000xf32, #tpu.memory_space<vmem>>
    %dma_wait3A_353 = arith.constant 0 : i32
    %dma_wait3A_354 = tpu.memref_slice %arg3[%dma_wait3A_353] : memref<100000xf32, #tpu.memory_space<hbm>> -> memref<10000xf32, #tpu.memory_space<hbm>>
    %dma_wait3A_355 = arith.constant 0 : i32
    %dma_wait3A_356 = tpu.memref_slice %arg8[%dma_wait3A_355] : memref<100000xf32, #tpu.memory_space<vmem>> -> memref<10000xf32, #tpu.memory_space<vmem>>
    %dma_wait3A_357 = arith.constant 0 : i32
    %dma_wait3A_358 = tpu.memref_slice %arg3[%dma_wait3A_357] : memref<100000xf32, #tpu.memory_space<hbm>> -> memref<10000xf32, #tpu.memory_space<hbm>>
    tpu.wait_dma2 semaphore(%arg10 : memref<!tpu.dma_semaphore, #tpu.memory_space<semaphore_mem>>) src(%dma_wait3A_358 : memref<10000xf32, #tpu.memory_space<hbm>>) dst(%dma_wait3A_356 : memref<10000xf32, #tpu.memory_space<vmem>>)
    %dma_wait3A_359 = arith.constant 0 : i32
    %dma_wait3A_360 = tpu.memref_slice %arg8[%dma_wait3A_359] : memref<100000xf32, #tpu.memory_space<vmem>> -> memref<10000xf32, #tpu.memory_space<vmem>>
    %dma_wait3A_361 = arith.constant 0 : i32
    %dma_wait3A_362 = tpu.memref_slice %arg3[%dma_wait3A_361] : memref<100000xf32, #tpu.memory_space<hbm>> -> memref<10000xf32, #tpu.memory_space<hbm>>
    %dma_wait3A_363 = arith.constant 0 : i32
    %dma_wait3A_364 = tpu.memref_slice %arg8[%dma_wait3A_363] : memref<100000xf32, #tpu.memory_space<vmem>> -> memref<10000xf32, #tpu.memory_space<vmem>>
    %dma_wait3A_365 = arith.constant 0 : i32
    %dma_wait3A_366 = tpu.memref_slice %arg3[%dma_wait3A_365] : memref<100000xf32, #tpu.memory_space<hbm>> -> memref<10000xf32, #tpu.memory_space<hbm>>
    tpu.wait_dma2 semaphore(%arg10 : memref<!tpu.dma_semaphore, #tpu.memory_space<semaphore_mem>>) src(%dma_wait3A_366 : memref<10000xf32, #tpu.memory_space<hbm>>) dst(%dma_wait3A_364 : memref<10000xf32, #tpu.memory_space<vmem>>)
    %dma_wait3A_367 = arith.constant 0 : i32
    %dma_wait3A_368 = tpu.memref_slice %arg8[%dma_wait3A_367] : memref<100000xf32, #tpu.memory_space<vmem>> -> memref<10000xf32, #tpu.memory_space<vmem>>
    %dma_wait3A_369 = arith.constant 0 : i32
    %dma_wait3A_370 = tpu.memref_slice %arg3[%dma_wait3A_369] : memref<100000xf32, #tpu.memory_space<hbm>> -> memref<10000xf32, #tpu.memory_space<hbm>>
    %dma_wait3A_371 = arith.constant 0 : i32
    %dma_wait3A_372 = tpu.memref_slice %arg8[%dma_wait3A_371] : memref<100000xf32, #tpu.memory_space<vmem>> -> memref<10000xf32, #tpu.memory_space<vmem>>
    %dma_wait3A_373 = arith.constant 0 : i32
    %dma_wait3A_374 = tpu.memref_slice %arg3[%dma_wait3A_373] : memref<100000xf32, #tpu.memory_space<hbm>> -> memref<10000xf32, #tpu.memory_space<hbm>>
    tpu.wait_dma2 semaphore(%arg10 : memref<!tpu.dma_semaphore, #tpu.memory_space<semaphore_mem>>) src(%dma_wait3A_374 : memref<10000xf32, #tpu.memory_space<hbm>>) dst(%dma_wait3A_372 : memref<10000xf32, #tpu.memory_space<vmem>>)
    %dma_wait3A_375 = arith.constant 0 : i32
    %dma_wait3A_376 = tpu.memref_slice %arg8[%dma_wait3A_375] : memref<100000xf32, #tpu.memory_space<vmem>> -> memref<10000xf32, #tpu.memory_space<vmem>>
    %dma_wait3A_377 = arith.constant 0 : i32
    %dma_wait3A_378 = tpu.memref_slice %arg3[%dma_wait3A_377] : memref<100000xf32, #tpu.memory_space<hbm>> -> memref<10000xf32, #tpu.memory_space<hbm>>
    %dma_wait3A_379 = arith.constant 0 : i32
    %dma_wait3A_380 = tpu.memref_slice %arg8[%dma_wait3A_379] : memref<100000xf32, #tpu.memory_space<vmem>> -> memref<10000xf32, #tpu.memory_space<vmem>>
    %dma_wait3A_381 = arith.constant 0 : i32
    %dma_wait3A_382 = tpu.memref_slice %arg3[%dma_wait3A_381] : memref<100000xf32, #tpu.memory_space<hbm>> -> memref<10000xf32, #tpu.memory_space<hbm>>
    tpu.wait_dma2 semaphore(%arg10 : memref<!tpu.dma_semaphore, #tpu.memory_space<semaphore_mem>>) src(%dma_wait3A_382 : memref<10000xf32, #tpu.memory_space<hbm>>) dst(%dma_wait3A_380 : memref<10000xf32, #tpu.memory_space<vmem>>)
    %scan3A_383 = arith.constant 0 : i32
    %scan3A_384 = arith.constant 100 : i32
    %scan3A_385 = arith.addi %scan3A_383, %scan3A_384 : i32
    %scan3A_386 = arith.constant 1 : i32
    %scan3A_387:8 = scf.for %scan3A_427 = %scan3A_383 to %scan3A_385 step %scan3A_386 iter_args(%scan3A_428 = %broadcast_in_dim3A_0, %scan3A_429 = %broadcast_in_dim3A_0, %scan3A_430 = %broadcast_in_dim3A_0, %scan3A_431 = %broadcast_in_dim3A_0, %scan3A_432 = %broadcast_in_dim3A_0, %scan3A_433 = %broadcast_in_dim3A_0, %scan3A_434 = %broadcast_in_dim3A_0, %scan3A_435 = %broadcast_in_dim3A_0) -> (vector<16xf32>, vector<16xf32>, vector<16xf32>, vector<16xf32>, vector<16xf32>, vector<16xf32>, vector<16xf32>, vector<16xf32>)  : i32 {
      %get3A_436 = arith.index_cast %scan3A_427 : i32 to index
      %get3A_437 = arith.constant 0 : index
      %get3A_438 = tpu.vector_load %arg7[%get3A_436, %get3A_437] {strides = array<i32>} : memref<100x128xi32, #tpu.memory_space<vmem>>, vector<16xi32>,
      %gather3A = tpu.vector_load_idx %arg8[%get3A_438] : memref<100000xf32, #tpu.memory_space<vmem>>[vector<16xi32>], vector<16xf32>,
      %add3A_439 = arith.addf %scan3A_428, %gather3A : vector<16xf32>
      %get3A_440 = arith.index_cast %scan3A_427 : i32 to index
      %get3A_441 = arith.constant 16 : index
      %get3A_442 = tpu.vector_load %arg7[%get3A_440, %get3A_441] {strides = array<i32>} : memref<100x128xi32, #tpu.memory_space<vmem>>, vector<16xi32>,
      %gather3A_443 = tpu.vector_load_idx %arg8[%get3A_442] : memref<100000xf32, #tpu.memory_space<vmem>>[vector<16xi32>], vector<16xf32>,
      %add3A_444 = arith.addf %scan3A_429, %gather3A_443 : vector<16xf32>
      %get3A_445 = arith.index_cast %scan3A_427 : i32 to index
      %get3A_446 = arith.constant 32 : index
      %get3A_447 = tpu.vector_load %arg7[%get3A_445, %get3A_446] {strides = array<i32>} : memref<100x128xi32, #tpu.memory_space<vmem>>, vector<16xi32>,
      %gather3A_448 = tpu.vector_load_idx %arg8[%get3A_447] : memref<100000xf32, #tpu.memory_space<vmem>>[vector<16xi32>], vector<16xf32>,
      %add3A_449 = arith.addf %scan3A_430, %gather3A_448 : vector<16xf32>
      %get3A_450 = arith.index_cast %scan3A_427 : i32 to index
      %get3A_451 = arith.constant 48 : index
      %get3A_452 = tpu.vector_load %arg7[%get3A_450, %get3A_451] {strides = array<i32>} : memref<100x128xi32, #tpu.memory_space<vmem>>, vector<16xi32>,
      %gather3A_453 = tpu.vector_load_idx %arg8[%get3A_452] : memref<100000xf32, #tpu.memory_space<vmem>>[vector<16xi32>], vector<16xf32>,
      %add3A_454 = arith.addf %scan3A_431, %gather3A_453 : vector<16xf32>
      %get3A_455 = arith.index_cast %scan3A_427 : i32 to index
      %get3A_456 = arith.constant 64 : index
      %get3A_457 = tpu.vector_load %arg7[%get3A_455, %get3A_456] {strides = array<i32>} : memref<100x128xi32, #tpu.memory_space<vmem>>, vector<16xi32>,
      %gather3A_458 = tpu.vector_load_idx %arg8[%get3A_457] : memref<100000xf32, #tpu.memory_space<vmem>>[vector<16xi32>], vector<16xf32>,
      %add3A_459 = arith.addf %scan3A_432, %gather3A_458 : vector<16xf32>
      %get3A_460 = arith.index_cast %scan3A_427 : i32 to index
      %get3A_461 = arith.constant 80 : index
      %get3A_462 = tpu.vector_load %arg7[%get3A_460, %get3A_461] {strides = array<i32>} : memref<100x128xi32, #tpu.memory_space<vmem>>, vector<16xi32>,
      %gather3A_463 = tpu.vector_load_idx %arg8[%get3A_462] : memref<100000xf32, #tpu.memory_space<vmem>>[vector<16xi32>], vector<16xf32>,
      %add3A_464 = arith.addf %scan3A_433, %gather3A_463 : vector<16xf32>
      %get3A_465 = arith.index_cast %scan3A_427 : i32 to index
      %get3A_466 = arith.constant 96 : index
      %get3A_467 = tpu.vector_load %arg7[%get3A_465, %get3A_466] {strides = array<i32>} : memref<100x128xi32, #tpu.memory_space<vmem>>, vector<16xi32>,
      %gather3A_468 = tpu.vector_load_idx %arg8[%get3A_467] : memref<100000xf32, #tpu.memory_space<vmem>>[vector<16xi32>], vector<16xf32>,
      %add3A_469 = arith.addf %scan3A_434, %gather3A_468 : vector<16xf32>
      %get3A_470 = arith.index_cast %scan3A_427 : i32 to index
      %get3A_471 = arith.constant 112 : index
      %get3A_472 = tpu.vector_load %arg7[%get3A_470, %get3A_471] {strides = array<i32>} : memref<100x128xi32, #tpu.memory_space<vmem>>, vector<16xi32>,
      %gather3A_473 = tpu.vector_load_idx %arg8[%get3A_472] : memref<100000xf32, #tpu.memory_space<vmem>>[vector<16xi32>], vector<16xf32>,
      %add3A_474 = arith.addf %scan3A_435, %gather3A_473 : vector<16xf32>
      scf.yield %add3A_439, %add3A_444, %add3A_449, %add3A_454, %add3A_459, %add3A_464, %add3A_469, %add3A_474 : vector<16xf32>, vector<16xf32>, vector<16xf32>, vector<16xf32>, vector<16xf32>, vector<16xf32>, vector<16xf32>, vector<16xf32>
    }
    %scan3A_388 = arith.constant 100 : i32
    %get3A = arith.constant 0 : index
    %get3A_389 = tpu.vector_load %arg9[%get3A] {strides = array<i32>} : memref<128xf32, #tpu.memory_space<vmem>>, vector<16xf32>,
    %add3A_390 = arith.addf %get3A_389, %scan3A_387#0 : vector<16xf32>
    %swap3A = arith.constant 0 : index
    %swap3A_391 = tpu.vector_load %arg9[%swap3A] {strides = array<i32>} : memref<128xf32, #tpu.memory_space<vmem>>, vector<16xf32>,
    tpu.vector_store %arg9[%swap3A], %add3A_390 {strides = array<i32>} : memref<128xf32, #tpu.memory_space<vmem>>, vector<16xf32>,
    %get3A_392 = arith.constant 16 : index
    %get3A_393 = tpu.vector_load %arg9[%get3A_392] {strides = array<i32>} : memref<128xf32, #tpu.memory_space<vmem>>, vector<16xf32>,
    %add3A_394 = arith.addf %get3A_393, %scan3A_387#1 : vector<16xf32>
    %swap3A_395 = arith.constant 16 : index
    %swap3A_396 = tpu.vector_load %arg9[%swap3A_395] {strides = array<i32>} : memref<128xf32, #tpu.memory_space<vmem>>, vector<16xf32>,
    tpu.vector_store %arg9[%swap3A_395], %add3A_394 {strides = array<i32>} : memref<128xf32, #tpu.memory_space<vmem>>, vector<16xf32>,
    %get3A_397 = arith.constant 32 : index
    %get3A_398 = tpu.vector_load %arg9[%get3A_397] {strides = array<i32>} : memref<128xf32, #tpu.memory_space<vmem>>, vector<16xf32>,
    %add3A_399 = arith.addf %get3A_398, %scan3A_387#2 : vector<16xf32>
    %swap3A_400 = arith.constant 32 : index
    %swap3A_401 = tpu.vector_load %arg9[%swap3A_400] {strides = array<i32>} : memref<128xf32, #tpu.memory_space<vmem>>, vector<16xf32>,
    tpu.vector_store %arg9[%swap3A_400], %add3A_399 {strides = array<i32>} : memref<128xf32, #tpu.memory_space<vmem>>, vector<16xf32>,
    %get3A_402 = arith.constant 48 : index
    %get3A_403 = tpu.vector_load %arg9[%get3A_402] {strides = array<i32>} : memref<128xf32, #tpu.memory_space<vmem>>, vector<16xf32>,
    %add3A_404 = arith.addf %get3A_403, %scan3A_387#3 : vector<16xf32>
    %swap3A_405 = arith.constant 48 : index
    %swap3A_406 = tpu.vector_load %arg9[%swap3A_405] {strides = array<i32>} : memref<128xf32, #tpu.memory_space<vmem>>, vector<16xf32>,
    tpu.vector_store %arg9[%swap3A_405], %add3A_404 {strides = array<i32>} : memref<128xf32, #tpu.memory_space<vmem>>, vector<16xf32>,
    %get3A_407 = arith.constant 64 : index
    %get3A_408 = tpu.vector_load %arg9[%get3A_407] {strides = array<i32>} : memref<128xf32, #tpu.memory_space<vmem>>, vector<16xf32>,
    %add3A_409 = arith.addf %get3A_408, %scan3A_387#4 : vector<16xf32>
    %swap3A_410 = arith.constant 64 : index
    %swap3A_411 = tpu.vector_load %arg9[%swap3A_410] {strides = array<i32>} : memref<128xf32, #tpu.memory_space<vmem>>, vector<16xf32>,
    tpu.vector_store %arg9[%swap3A_410], %add3A_409 {strides = array<i32>} : memref<128xf32, #tpu.memory_space<vmem>>, vector<16xf32>,
    %get3A_412 = arith.constant 80 : index
    %get3A_413 = tpu.vector_load %arg9[%get3A_412] {strides = array<i32>} : memref<128xf32, #tpu.memory_space<vmem>>, vector<16xf32>,
    %add3A_414 = arith.addf %get3A_413, %scan3A_387#5 : vector<16xf32>
    %swap3A_415 = arith.constant 80 : index
    %swap3A_416 = tpu.vector_load %arg9[%swap3A_415] {strides = array<i32>} : memref<128xf32, #tpu.memory_space<vmem>>, vector<16xf32>,
    tpu.vector_store %arg9[%swap3A_415], %add3A_414 {strides = array<i32>} : memref<128xf32, #tpu.memory_space<vmem>>, vector<16xf32>,
    %get3A_417 = arith.constant 96 : index
    %get3A_418 = tpu.vector_load %arg9[%get3A_417] {strides = array<i32>} : memref<128xf32, #tpu.memory_space<vmem>>, vector<16xf32>,
    %add3A_419 = arith.addf %get3A_418, %scan3A_387#6 : vector<16xf32>
    %swap3A_420 = arith.constant 96 : index
    %swap3A_421 = tpu.vector_load %arg9[%swap3A_420] {strides = array<i32>} : memref<128xf32, #tpu.memory_space<vmem>>, vector<16xf32>,
    tpu.vector_store %arg9[%swap3A_420], %add3A_419 {strides = array<i32>} : memref<128xf32, #tpu.memory_space<vmem>>, vector<16xf32>,
    %get3A_422 = arith.constant 112 : index
    %get3A_423 = tpu.vector_load %arg9[%get3A_422] {strides = array<i32>} : memref<128xf32, #tpu.memory_space<vmem>>, vector<16xf32>,
    %add3A_424 = arith.addf %get3A_423, %scan3A_387#7 : vector<16xf32>
    %swap3A_425 = arith.constant 112 : index
    %swap3A_426 = tpu.vector_load %arg9[%swap3A_425] {strides = array<i32>} : memref<128xf32, #tpu.memory_space<vmem>>, vector<16xf32>,
    tpu.vector_store %arg9[%swap3A_425], %add3A_424 {strides = array<i32>} : memref<128xf32, #tpu.memory_space<vmem>>, vector<16xf32>,
    "tpu.region"() ({
      %run_scoped3A = tpu.sem_alloc : memref<!tpu.dma_semaphore, #tpu.memory_space<semaphore_mem>>
      %dma_start3A_427 = tpu.memref_slice %arg5[%mul3A_3] : memref<4096xf32, #tpu.memory_space<hbm>> -> memref<128xf32, #tpu.memory_space<hbm>>
      %dma_start3A_428 = tpu.memref_slice %arg5[%mul3A_3] : memref<4096xf32, #tpu.memory_space<hbm>> -> memref<128xf32, #tpu.memory_space<hbm>>
      tpu.enqueue_dma source(%arg9 : memref<128xf32, #tpu.memory_space<vmem>>) target(%dma_start3A_428 : memref<128xf32, #tpu.memory_space<hbm>>) target_semaphore(%run_scoped3A : memref<!tpu.dma_semaphore, #tpu.memory_space<semaphore_mem>>)
      %dma_wait3A_429 = tpu.memref_slice %arg5[%mul3A_3] : memref<4096xf32, #tpu.memory_space<hbm>> -> memref<128xf32, #tpu.memory_space<hbm>>
      %dma_wait3A_430 = tpu.memref_slice %arg5[%mul3A_3] : memref<4096xf32, #tpu.memory_space<hbm>> -> memref<128xf32, #tpu.memory_space<hbm>>
      tpu.wait_dma2 semaphore(%run_scoped3A : memref<!tpu.dma_semaphore, #tpu.memory_space<semaphore_mem>>) src(%arg9 : memref<128xf32, #tpu.memory_space<vmem>>) dst(%dma_wait3A_430 : memref<128xf32, #tpu.memory_space<hbm>>)
      tpu.yield
    }) : () -> ()
    return
  }
}

module attributes {stable_mosaic.version = 14 : i64} {
  func.func @_c_table_body(%arg0: i32, %arg1: memref<4096x128xf32, #tpu.memory_space<vmem>>, %arg2: memref<1x4096xf32, #tpu.memory_space<vmem>>, %arg3: memref<1x4096xf32, #tpu.memory_space<vmem>>) attributes {dimension_semantics = [#tpu.dimension_semantics<arbitrary>], iteration_bounds = array<i64: 25>, scalar_prefetch = 0 : i64, scratch_operands = 0 : i64, tpu.core_type = #tpu.core_type<tc>, window_params = [{transform_indices = @transform_0, window_bounds = array<i64: 4096, 128>}, {transform_indices = @transform_1, window_bounds = array<i64: 1, 4096>}, {transform_indices = @transform_2, window_bounds = array<i64: 1, 4096>}]} {
    %get3A = arith.constant 0 : index
    %get3A_0 = arith.constant 0 : index
    %get3A_1 = vector.load %arg1[%get3A, %get3A_0] : memref<4096x128xf32, #tpu.memory_space<vmem>>, vector<4096x128xf32>
    %broadcast_in_dim3A = arith.constant 1.000000e+00 : f32
    %broadcast_in_dim3A_2 = vector.broadcast %broadcast_in_dim3A : f32 to vector<1x128xf32>
    %mul3A = arith.mulf %get3A_1, %get3A_1 : vector<4096x128xf32>
    %dot_general3A = arith.constant dense<0.000000e+00> : vector<1x4096xf32>
    %dot_general3A_3 = tpu.matmul %broadcast_in_dim3A_2, %mul3A, %dot_general3A {dimension_numbers = #tpu.dot_dimension_numbers<[1], [1], [0], [0], [0, 0, 1, 0], [], []>, transpose_lhs_hint = false} : vector<1x128xf32>, vector<4096x128xf32>, vector<1x4096xf32> -> vector<1x4096xf32>
    %get3A_4 = arith.constant 0 : index
    %get3A_5 = arith.constant 0 : index
    %get3A_6 = vector.load %arg2[%get3A_4, %get3A_5] : memref<1x4096xf32, #tpu.memory_space<vmem>>, vector<1x4096xf32>
    %mul3A_7 = arith.constant 5.000000e-01 : f32
    %mul3A_8 = vector.broadcast %mul3A_7 : f32 to vector<1x4096xf32>
    %mul3A_9 = arith.mulf %mul3A_8, %dot_general3A_3 : vector<1x4096xf32>
    %sub3A = arith.subf %get3A_6, %mul3A_9 : vector<1x4096xf32>
    %swap3A = arith.constant 0 : index
    %swap3A_10 = arith.constant 0 : index
    %swap3A_11 = vector.load %arg3[%swap3A, %swap3A_10] : memref<1x4096xf32, #tpu.memory_space<vmem>>, vector<1x4096xf32>
    tpu.vector_store %arg3[%swap3A, %swap3A_10], %sub3A {strides = array<i32>} : memref<1x4096xf32, #tpu.memory_space<vmem>>, vector<1x4096xf32>,
    return
  }
  func.func @transform_0(%arg0: i32) -> (i32, i32) {
    %c0_i32 = arith.constant 0 : i32
    %c0_i32_0 = arith.constant 0 : i32
    return %arg0, %c0_i32 : i32, i32
  }
  func.func @transform_1(%arg0: i32) -> (i32, i32) {
    %c0_i32 = arith.constant 0 : i32
    %c0_i32_0 = arith.constant 0 : i32
    return %c0_i32, %arg0 : i32, i32
  }
  func.func @transform_2(%arg0: i32) -> (i32, i32) {
    %c0_i32 = arith.constant 0 : i32
    %c0_i32_0 = arith.constant 0 : i32
    return %c0_i32, %arg0 : i32, i32
  }
}

</mosaic_0001>

<sc_bundles>
// kernel: kernel.5.cloned.1.call-start
scs
__scs_entry_jumppad:
0x0: {  	(pc) =	sbr.rel $0x88, $3  }
0x1: {  	(tag) =	ssettag $0x0;
	lr =	simm.s32 $0x1  }
0x2: {  	[smem:$0x3F9E] =	sst lr;
	_ =	strace $0xD0000000  }
0x3: {  	_ = 	snop  }
0x4: {  	_ = 	snop  }
0x5: {  	_ = 	snop  }
0x6: {  	_ = 	snop  }
0x7: {  	_ = 	snop  }
__scs_overlays_trampoline_lowered:
0x8: {  	[smem:$0x3FAD] =	sst s0  }
0x9: {  	[smem:$0x3FAE] =	sst s1  }
0xa: {  	[smem:$0x3FAF] =	sst s2  }
0xb: {  	[smem:$0x3FB0] =	sst s3  }
0xc: {  	[smem:$0x3FB1] =	sst s4  }
0xd: {  	[smem:$0x3FB2] =	sst s5  }
0xe: {  	[smem:$0x3FB3] =	sst s6  }
0xf: {  	[smem:$0x3FB4] =	sst s7  }
0x10: {  	[smem:$0x3FB5] =	sst s8  }
0x11: {  	[smem:$0x3FB6] =	sst s9;
	s0 =	simm.s32 @!p0 $0x0  }
0x12: {  	s1 =	sld [smem:$0x3F9C];
	s0 =	simm.s32 @p0 $0x1  }
0x13: {  	[smem:$0x3FB7] =	sst s0;
	s0 =	simm.s32 @!p1 $0x0  }
0x14: {  	s2 =	sld [smem:$0x3F9B];
	s0 =	simm.s32 @p1 $0x1  }
0x15: {  	[smem:$0x3FB8] =	sst s0;
	s0 =	simm.s32 @!p2 $0x0  }
0x16: {  	s3 =	sld [smem:$0x3FDB];
	s0 =	simm.s32 @p2 $0x1  }
0x17: {  	s4 =	simm.s32 $0x1BF5;
	[smem:$0x3FBA] =	sst s0  }
0x18: {  	s0 =	sld [smem:$0x3F9D];
	_ =	swait.ge [sflag:s4], $0x0  }
0x19: {  	s7 =	sld [smem:$0x3F9E]  }
0x1a: {  	s8 =	sadd.s32 $0xFFFFE003, lr  }
0x1b: {  	s9 =	sadd.s32 $0xFFFFFEF7, lr;
	s5 =	simm.s32 $0xFFFFFFFF;
	p2 =	slt.u32 s8, $0xFFFFF086  }
0x1c: {  	p1 =	slt.u32 s9, $0xF7A;
	s5 =	simm.s32 @!p2 $0x0  }
0x1d: {  	s5 =	simm.s32 @p1 $0x1;
	p0 =	seq.s32 s7, s2  }
0x1e: {  	s7 =	smul.u32 @!p0 $0xF7A, s2;
	p2 =	seq.s32 @!p0 s5, $0x0  }
0x1f: {  	s9 =	smul.u32 $0xF7A, s1;
	s8 =	simm.s32 @!p0 $0x1BF5;
	p2 =	por !p2, p0  }
0x20: {  	[sflag:s8] =	ssyncset.s32 @!p0 $0xFFFFF086;
	s6 =	sadd.s32 @!p0 s3, s7;
	s7 =	simm.s32 @!p0 $0x108  }
0x21: {  	s3 =	sadd.s32 s3, s9;
	s6 =	sadd.s32 @!p0 $0x88, s6;
	s7 =	simm.s32 @p2 $0x1082  }
0x22: {  	[simem:s7], [sflag:s8] =	dma.local @!p0 [hbm:s6], $0xF7A  }
0x23: {  	s9 =	sor.u32 $0xD0000000, s2;
	s6 =	simm.s32 $0x108;
	_ =	swait.ge @!p0 [sflag:s8], $0x0  }
0x24: {  	s3 =	sadd.s32 $0x88, s3;
	s6 =	simm.s32 @!p1 $0x1082;
	[sflag:s4] =	ssyncset.s32 $0xFFFFF086  }
0x25: {  	[simem:s6], [sflag:s4] =	dma.local [hbm:s3], $0xF7A  }
0x26: {  	[smem:$0x3F9E] =	sst s1;
	(tag) =	ssettag s2;
	_ =	strace s9  }
0x27: {  	s1 =	sld [smem:$0x3FAE]  }
0x28: {  	s2 =	sld [smem:$0x3FAF]  }
0x29: {  	s4 =	sld [smem:$0x3FB1]  }
0x2a: {  	p0 =	seq.s32 s5, $0x0;
	s5 =	sld [smem:$0x3FB2]  }
0x2b: {  	s6 =	sld [smem:$0x3FB3]  }
0x2c: {  	s7 =	sld [smem:$0x3FB4]  }
0x2d: {  	s3 =	simm.s32 $0x108;
	s8 =	sld [smem:$0x3FB5]  }
0x2e: {  	s3 =	simm.s32 @!p0 $0x1082;
	s9 =	sld [smem:$0x3FB6]  }
0x2f: {  	lr =	sadd.s32 s0, s3;
	s0 =	sld [smem:$0x3FAD]  }
0x30: {  	s3 =	sld [smem:$0x3FB0]  }
0x31: {  	[smem:$0x3FB9] =	sst s10  }
0x32: {  	s10 =	sld [smem:$0x3FB7];
	_ =	sdelay $0x3  }
0x33: {  	p0 =	seq.s32 s10, $0x1;
	s10 =	sld [smem:$0x3FB9];
	_ =	sdelay $0x3  }
0x34: {  	[smem:$0x3FB9] =	sst s10  }
0x35: {  	s10 =	sld [smem:$0x3FB8];
	_ =	sdelay $0x3  }
0x36: {  	p1 =	seq.s32 s10, $0x1;
	s10 =	sld [smem:$0x3FB9];
	_ =	sdelay $0x3  }
0x37: {  	[smem:$0x3FB9] =	sst s10  }
0x38: {  	s10 =	sld [smem:$0x3FBA]  }
0x39: {  	_ = 	snop;
	(pc) =	sbr.ind lr, $3  }
0x3a: {  	_ = 	snop  }
0x3b: {  	_ = 	snop  }
0x3c: {  	p2 =	seq.s32 s10, $0x1;
	s10 =	sld [smem:$0x3FB9]  }
0x3d: {  	_ =	shalt  }
0x3e: {  	_ =	shalt  }
0x3f: {  	_ =	shalt  }
0x40: {  	_ =	shalt  }
0x41: {  	_ =	shalt  }
0x42: {  	_ =	shalt  }
0x43: {  	_ =	shalt  }
0x44: {  	_ =	shalt  }
0x45: {  	_ =	shalt  }
0x46: {  	_ =	shalt  }
0x47: {  	_ =	shalt  }
0x48: {  	_ =	shalt  }
0x49: {  	_ =	shalt  }
0x4a: {  	_ =	shalt  }
0x4b: {  	_ =	shalt  }
0x4c: {  	_ =	shalt  }
0x4d: {  	_ =	shalt  }
0x4e: {  	_ =	shalt  }
0x4f: {  	_ =	shalt  }
0x50: {  	_ =	shalt  }
0x51: {  	_ =	shalt  }
0x52: {  	_ =	shalt  }
0x53: {  	_ =	shalt  }
0x54: {  	_ =	shalt  }
0x55: {  	_ =	shalt  }
0x56: {  	_ =	shalt  }
0x57: {  	_ =	shalt  }
0x58: {  	_ =	shalt  }
0x59: {  	_ =	shalt  }
0x5a: {  	_ =	shalt  }
0x5b: {  	_ =	shalt  }
0x5c: {  	_ =	shalt  }
0x5d: {  	_ =	shalt  }
0x5e: {  	_ =	shalt  }
0x5f: {  	_ =	shalt  }
0x60: {  	_ =	shalt  }
0x61: {  	_ =	shalt  }
0x62: {  	_ =	shalt  }
0x63: {  	_ =	shalt  }
0x64: {  	_ =	shalt  }
0x65: {  	_ =	shalt  }
0x66: {  	_ =	shalt  }
0x67: {  	_ =	shalt  }
0x68: {  	_ =	shalt  }
0x69: {  	_ =	shalt  }
0x6a: {  	_ =	shalt  }
0x6b: {  	_ =	shalt  }
0x6c: {  	_ =	shalt  }
0x6d: {  	_ =	shalt  }
0x6e: {  	_ =	shalt  }
0x6f: {  	_ =	shalt  }
0x70: {  	_ =	shalt  }
0x71: {  	_ =	shalt  }
0x72: {  	_ =	shalt  }
0x73: {  	_ =	shalt  }
0x74: {  	_ =	shalt  }
0x75: {  	_ =	shalt  }
0x76: {  	_ =	shalt  }
0x77: {  	_ =	shalt  }
0x78: {  	_ =	shalt  }
0x79: {  	_ =	shalt  }
0x7a: {  	_ =	shalt  }
0x7b: {  	_ =	shalt  }
0x7c: {  	_ =	shalt  }
0x7d: {  	_ =	shalt  }
0x7e: {  	_ =	shalt  }
0x7f: {  	_ =	shalt  }
0x80: {  	_ =	shalt  }
0x81: {  	_ =	shalt  }
0x82: {  	_ =	shalt  }
0x83: {  	_ =	shalt  }
0x84: {  	_ =	shalt  }
0x85: {  	_ =	shalt  }
0x86: {  	_ =	shalt  }
0x87: {  	_ =	shalt  }
.Lfunc_end0:
.L_simem_size_0:
called_computation_lowered:
.L_overlay_start_0:
0x88: {  	s2 =	sld [smem:$0x3FD9]  }
0x89: {  	s3 =	sld [smem:$0x3FFE];
	_ =	sdelay $0x1  }
0x8a: {  	s1 =	srdreg.scid  }
0x8b: {  	s0 =	sand.u32 $0x1, s1  }
0x8c: {  	s17 =	sshll.u32 s0, $0xA;
	s2 =	sadd.s32 s3, s2  }
0x8d: {  	s2 =	sadd.s32 s2, s17  }
0x8e: {  	[smem:$0x3FC5] =	sst s2  }
0x8f: {  	_ = 	snop  }
0x90: {  	s2 =	sld [smem:$0x3FC8];
	(tm) =	ssettm $0x1  }
0x91: {  	s18 =	sld [smem:$0x3FFB];
	_ =	sdelay $0x3  }
0x92: {  	_ =	strace s18  }
0x93: {  	s3 =	sld [smem:$0x3FFC];
	_ =	sdelay $0x3  }
0x94: {  	_ =	strace s3  }
0x95: {  	s3 =	sld [smem:$0x3FFD];
	_ =	sdelay $0x3  }
0x96: {  	_ =	strace s3  }
0x97: {  	_ =	strace $0x8FFFFFFF  }
0x98: {  	s19 =	sld [smem:$0x3FDB];
	_ =	sdelay $0x1  }
0x99: {  	s4 =	simm.s32 $_scs_section_size  }
0x9a: {  	s5 =	simm.s32 $_size__tile_overlayer_lowered;
	s6 =	simm.s32 $_tile_overlayer_lowered  }
0x9b: {  	s22 =	simm.s32 $0x1BFF;
	s21 =	sshll.u32 s6, $0x1;
	s3 =	sadd.s32 s4, s19  }
0x9c: {  	s7 =	simm.s32 $0x0;
	s20 =	sshll.u32 s5, $0x1;
	s5 =	sadd.s32 s21, s3  }
0x9d: {  	[timem:s7], [sflag:s22] =	dma.local [hbm:s5], s20  }
0x9e: {  	_ =	swait.ge [sflag:s22], s20  }
0x9f: {  	s4 =	ssub.s32 $0x0, s20;
	[sflag:s22] =	ssyncset.done $0x0  }
0xa0: {  	[sflag:s22] =	ssyncadd.s32 s4;
	_ =	sdelay $0x1  }
0xa1: {  	s23 =	simm.s32 $0x1B8B  }
0xa2: {  	_ =	swait.ge [sflag:s23], $0x1  }
0xa3: {  	[sflag:s23] =	ssyncset.done $0x0  }
0xa4: {  	s25 =	simm.s32 $0x1B8E;
	s24 =	sld [smem:$0x3FFE];
	[sflag:s23] =	ssyncadd.s32 $0xFFFFFFFF  }
0xa5: {  	s26 =	simm.s32 $execute0_lowered;
	[smem:$0x3FD2] =	sst s25  }
0xa6: {  	s5 =	sshll.u32 s26, $0x1;
	_ =	strace $0x80000046;
	[dreg:$0x1] =	wrdreg $0xFFFFFFFF  }
0xa7: {  	s28 =	simm.s32 $_size_execute0_lowered;
	s3 =	sadd.s32 s3, s5;
	[dreg:$0x0] =	wrdreg $0x0  }
0xa8: {  	s5 =	sshll.u32 s28, $0x1;
	[dreg:$0x2] =	wrdreg s3  }
0xa9: {  	[dreg:$0x3] =	wrdreg s5  }
0xaa: {  	[dreg:$0x4] =	wrdreg $0xC0  }
0xab: {  	_ =	task [dreg:s7], $0x5FFFF  }
0xac: {  	[dreg:$0x1] =	wrdreg $0xFFFFFFFF  }
0xad: {  	[dreg:$0x0] =	wrdreg $0x60  }
0xae: {  	[dreg:$0x2] =	wrdreg s24  }
0xaf: {  	[dreg:$0x3] =	wrdreg s2  }
0xb0: {  	[dreg:$0x4] =	wrdreg $0x9  }
0xb1: {  	_ =	task.clear_ibuf [dreg:s7], $0x5FFFF;
	_ =	strace $0x90000046  }
0xb2: {  	s29 =	simm.s32 $0x9;
	_ =	strace $0x80000048  }
0xb3: {  	_ =	swait.ge [sflag:s29], $0x1  }
0xb4: {  	[sflag:s29] =	ssyncadd.s32 $0xFFFFFFFF  }
0xb5: {  	_ =	strace $0x90000048  }
0xb6: {  	_ =	sfence  }
0xb7: {  	s30 =	sld [smem:$0x0];
	_ =	sdelay $0x2  }
0xb8: {  	s31 =	sshll.u32 s1, $0xD;
	s1 =	sshrl.u32 s1, $0x2  }
0xb9: {  	s3 =	sand.u32 $0x4000, s31;
	s1 =	sadd.s32 s1, s30  }
0xba: {  	s0 =	sor.u32 s3, s0;
	s1 =	sshll.u32 s1, $0x11  }
0xbb: {  	s0 =	sor.u32 s1, s0  }
0xbc: {  	s0 =	sadd.s32 $0x8F2B, s0  }
0xbd: {  	[sflag:s0] =	ssyncadd.remote.s32 $0x1  }
0xbe: {  	_ =	sfence.sel $0xFFFF  }
0xbf: {  	[dreg:$0x0] =	wrdreg $0xFFFFFFFF;
	(pc) =	sbr.abs _section_cstart, $3  }
0xc0: {  	[dreg:$0x1] =	wrdreg $0xFFFFFFFF  }
0xc1: {  	_ =	task.clear_ibuf [dreg:s7], $0x2FFFF;
	_ =	strace $0x9FFFFFFF  }
0xc2: {  	(tm) =	ssettm $0x7FFFFFFF  }
0xc3: {  	_ =	shalt  }
tec
execute0_lowered:
.L_overlay_start_1:
0x0: {  	(tag) =	ssettag $0x1  }
0x1: {  	s4 =	rddreg [dreg:$0x0]  }
0x2: {  	s2 =	rddreg [dreg:$0x1];
	s3 =	srdreg.scid  }
0x3: {  	s0 =	rddreg [dreg:$0x2];
	s1 =	stileid.u32  }
0x4: {  	s9 =	simm.s32 $0x7400;
	s10 =	simm.s32 $0x2;
	s11 =	simm.s32 $0xB400  }
0x5: {  	s12 =	simm.s32 $0x3;
	s13 =	simm.s32 $0x0;
	s5 =	sand.u32 $0x1, s3  }
0x6: {  	v0 =	vlaneseq.u32;
	s3 =	simm.s32 $0x0;
	s6 =	sshll.u32 s1, $0x8;
	s7 =	sshll.u32 s5, $0x7  }
0x7: {  	v0 =	vmul.u32 $0x80, v0;
	[smem:$0x7FF] =	sst s3;
	s5 =	ssub.s32 $0x2, s5;
	s6 =	sor.u32 s7, s6  }
0x8: {  	_ =	strace $0x80000047;
	s7 =	sshll.u32 s6, $0x4;
	s6 =	sshrl.u32 s6, $0x3  }
0x9: {  	v1 =	vimm.f32 $0.0e+00;
	s8 =	sshrl.u32 s5, $0x1;
	v2 =	vor.u32 $0x800, v0;
	s7 =	sadd.s32 s7, s4;
	s6 =	sadd.s32 s6, s4  }
0xa: {  	v3 =	vor.u32 $0x1000, v0;
	v4 =	vor.u32 $0x1800, v0;
	v5 =	vor.u32 $0x2000, v0;
	s8 =	ssub.s32 s5, s8;
	s4 =	sadd.s32 $0x600, s7;
	s5 =	sadd.s32 $0x10600, s6  }
0xb: {  	v6 =	vor.u32 $0x2800, v0;
	v7 =	vor.u32 $0x3000, v0;
	v8 =	vor.u32 $0x3800, v0;
	s6 =	smax.u32 s8, $0x1;
	s7 =	simm.s32 $0x1;
	s8 =	simm.s32 $0x80  }
.LBB2_1:
0xc: {  	[tilespmem:s3], [sflag:$0x1] =	stream.linear.gather [hbm4b:s4+s3], $0x4000, $0x38;
	[tilespmem:$0xB480] =	vst v63  }
0xd: {  	s14 =	simm.s32 $0x0;
	s15 =	simm.s32 $0x200  }
.LBB2_2:
0xe: {  	p0 =	sne.s32 s15, $0xFE00;
	[tilespmem:s14+$0x7470] =	vst v1  }
0xf: {  	[tilespmem:s14+$0x7400] =	vst v1  }
0x10: {  	[tilespmem:s14+$0x7410] =	vst v1  }
.Ltmp0:
0x11: {  	[tilespmem:s14+$0x7420] =	vst v1;
	(pc) =	sbr.rel @p0 .LBB2_2-.Ltmp0, $4  }
0x12: {  	[tilespmem:s14+$0x7430] =	vst v1  }
0x13: {  	[tilespmem:s14+$0x7440] =	vst v1  }
0x14: {  	[tilespmem:s14+$0x7450] =	vst v1  }
0x15: {  	[tilespmem:s14+$0x7460] =	vst v1;
	s14 =	sshra.s32 s15, $0x2;
	s15 =	sadd.s32 $0x200, s15  }
0x16: {  	[tilespmem:s14+$0x7470] =	vst v1  }
0x17: {  	[tilespmem:s14+$0x7400] =	vst v1;
	s15 =	simm.s32 $0x0  }
0x18: {  	[tilespmem:s14+$0x7410] =	vst v1;
	v9 =	vmov s15  }
0x19: {  	[tilespmem:s14+$0x7420] =	vst v1;
	v9 =	vand.u32 $0x7F, v9  }
0x1a: {  	[tilespmem:s14+$0x7430] =	vst v1;
	v9 =	vbroadcast v9, $0x0  }
0x1b: {  	[tilespmem:s14+$0x7440] =	vst v1  }
0x1c: {  	[tilespmem:s14+$0x7450] =	vst v1;
	v10 =	vor.u32 v0, v9  }
0x1d: {  	[tilespmem:s14+$0x7460] =	vst v1  }
0x1e: {  	_ =	swait.ge [sflag:s7], $0x4000  }
0x1f: {  	[sflag:s7] =	ssyncset.done $0x0  }
0x20: {  	[sflag:s7] =	ssyncadd.s32 $0xFFFFC000  }
0x21: {  	v10 =	vld.idx.msk [tilespmem:v10+s3+$0x0], $0xffff  }
0x22: {  	v11 =	vor.u32 v2, v9;
	_ =	sdelay $0x2  }
0x23: {  	s14 =	simm.s32 $0x4000  }
0x24: {  	[tilespmem:s14+$0x0] =	vst v10  }
0x25: {  	v10 =	vld.idx.msk [tilespmem:v11+s3+$0x0], $0xffff  }
0x26: {  	v11 =	vor.u32 v3, v9;
	_ =	sdelay $0x3  }
0x27: {  	[tilespmem:s14+$0x10] =	vst v10  }
0x28: {  	v10 =	vld.idx.msk [tilespmem:v11+s3+$0x0], $0xffff  }
0x29: {  	v11 =	vor.u32 v4, v9;
	_ =	sdelay $0x3  }
0x2a: {  	[tilespmem:s14+$0x20] =	vst v10  }
0x2b: {  	v10 =	vld.idx.msk [tilespmem:v11+s3+$0x0], $0xffff  }
0x2c: {  	v11 =	vor.u32 v5, v9;
	_ =	sdelay $0x3  }
0x2d: {  	[tilespmem:s14+$0x30] =	vst v10  }
0x2e: {  	v10 =	vld.idx.msk [tilespmem:v11+s3+$0x0], $0xffff  }
0x2f: {  	v11 =	vor.u32 v6, v9;
	_ =	sdelay $0x3  }
0x30: {  	[tilespmem:s14+$0x40] =	vst v10  }
0x31: {  	v10 =	vld.idx.msk [tilespmem:v11+s3+$0x0], $0xffff  }
0x32: {  	v11 =	vor.u32 v7, v9;
	_ =	sdelay $0x3  }
0x33: {  	[tilespmem:s14+$0x50] =	vst v10  }
0x34: {  	v10 =	vld.idx.msk [tilespmem:v11+s3+$0x0], $0xffff  }
0x35: {  	v9 =	vor.u32 v8, v9;
	_ =	sdelay $0x1  }
0x36: {  	s31 =	simm.s32 $0x1  }
0x37: {  	s15 =	simm.s32 $0x2;
	v11 =	vmov s31  }
.LBB2_4:
0x38: {  	p0 =	sne.s32 s15, $0x63;
	v11 =	vand.u32 $0x7F, v11;
	[tilespmem:s14+$0x60] =	vst v10  }
0x39: {  	v11 =	vbroadcast v11, $0x0;
	v9 =	vld.idx.msk [tilespmem:v9+s3+$0x0], $0xffff;
	_ =	sdelay $0x1  }
0x3a: {  	v10 =	vor.u32 v0, v11;
	_ =	sdelay $0x3  }
0x3b: {  	[tilespmem:s14+$0x70] =	vst v9;
	[tilespmem:s9], [sflag:$0x2] =	stream.indirect.gather.add.f32 [hbm:s2], $0x80, s14, s8, $0xb8  }
0x3c: {  	v9 =	vld.idx.msk [tilespmem:v10+s3+$0x0], $0xffff;
	_ =	sdelay $0x1  }
0x3d: {  	v10 =	vor.u32 v2, v11;
	_ =	sdelay $0x2  }
0x3e: {  	s14 =	sadd.s32 $0x80, s14  }
0x3f: {  	[tilespmem:s14+$0x0] =	vst v9  }
0x40: {  	v9 =	vld.idx.msk [tilespmem:v10+s3+$0x0], $0xffff;
	_ =	sdelay $0x1  }
0x41: {  	v10 =	vor.u32 v3, v11;
	_ =	sdelay $0x3  }
0x42: {  	[tilespmem:s14+$0x10] =	vst v9  }
0x43: {  	v9 =	vld.idx.msk [tilespmem:v10+s3+$0x0], $0xffff;
	_ =	sdelay $0x1  }
0x44: {  	v10 =	vor.u32 v4, v11;
	_ =	sdelay $0x3  }
0x45: {  	[tilespmem:s14+$0x20] =	vst v9  }
0x46: {  	v9 =	vld.idx.msk [tilespmem:v10+s3+$0x0], $0xffff;
	_ =	sdelay $0x1  }
0x47: {  	v10 =	vor.u32 v5, v11;
	_ =	sdelay $0x3  }
0x48: {  	[tilespmem:s14+$0x30] =	vst v9  }
0x49: {  	v9 =	vld.idx.msk [tilespmem:v10+s3+$0x0], $0xffff;
	_ =	sdelay $0x1  }
0x4a: {  	v10 =	vor.u32 v6, v11;
	_ =	sdelay $0x3  }
0x4b: {  	[tilespmem:s14+$0x40] =	vst v9  }
0x4c: {  	v9 =	vld.idx.msk [tilespmem:v10+s3+$0x0], $0xffff;
	_ =	sdelay $0x1  }
0x4d: {  	v10 =	vor.u32 v7, v11;
	_ =	sdelay $0x3  }
0x4e: {  	[tilespmem:s14+$0x50] =	vst v9  }
0x4f: {  	v10 =	vld.idx.msk [tilespmem:v10+s3+$0x0], $0xffff  }
.Ltmp1:
0x50: {  	(pc) =	sbr.rel @p0 .LBB2_4-.Ltmp1, $2  }
0x51: {  	v9 =	vor.u32 v8, v11;
	_ =	sdelay $0x2  }
0x52: {  	v11 =	vmov s15;
	s15 =	sadd.s32 $0x1, s15  }
0x53: {  	_ =	sdelay $0x2  }
0x54: {  	v11 =	vand.u32 $0x7F, v11;
	[tilespmem:s14+$0x60] =	vst v10  }
0x55: {  	v10 =	vbroadcast v11, $0x0;
	v9 =	vld.idx.msk [tilespmem:v9+s3+$0x0], $0xffff;
	_ =	sdelay $0x1  }
0x56: {  	v11 =	vor.u32 v0, v10;
	_ =	sdelay $0x2  }
0x57: {  	[tilespmem:s14+$0x70] =	vst v9  }
0x58: {  	[tilespmem:s9], [sflag:$0x2] =	stream.indirect.gather.add.f32 [hbm:s2], $0x80, s14, s8, $0xb8;
	[tilespmem:$0xB480] =	vst v63  }
0x59: {  	v9 =	vld.idx.msk [tilespmem:v11+s3+$0x0], $0xffff  }
0x5a: {  	v11 =	vor.u32 v2, v10;
	_ =	sdelay $0x2  }
0x5b: {  	s31 =	sadd.s32 $0x80, s14  }
0x5c: {  	[tilespmem:s31+$0x0] =	vst v9  }
0x5d: {  	v9 =	vld.idx.msk [tilespmem:v11+s3+$0x0], $0xffff  }
0x5e: {  	v11 =	vor.u32 v3, v10;
	_ =	sdelay $0x3  }
0x5f: {  	[tilespmem:s31+$0x10] =	vst v9  }
0x60: {  	v9 =	vld.idx.msk [tilespmem:v11+s3+$0x0], $0xffff  }
0x61: {  	v11 =	vor.u32 v4, v10;
	_ =	sdelay $0x3  }
0x62: {  	[tilespmem:s31+$0x20] =	vst v9  }
0x63: {  	v9 =	vld.idx.msk [tilespmem:v11+s3+$0x0], $0xffff  }
0x64: {  	v11 =	vor.u32 v5, v10;
	_ =	sdelay $0x3  }
0x65: {  	[tilespmem:s31+$0x30] =	vst v9  }
0x66: {  	v9 =	vld.idx.msk [tilespmem:v11+s3+$0x0], $0xffff  }
0x67: {  	v11 =	vor.u32 v6, v10;
	_ =	sdelay $0x3  }
0x68: {  	[tilespmem:s31+$0x40] =	vst v9  }
0x69: {  	v9 =	vld.idx.msk [tilespmem:v11+s3+$0x0], $0xffff  }
0x6a: {  	v11 =	vor.u32 v7, v10;
	_ =	sdelay $0x3  }
0x6b: {  	[tilespmem:s31+$0x50] =	vst v9  }
0x6c: {  	v9 =	vld.idx.msk [tilespmem:v11+s3+$0x0], $0xffff  }
0x6d: {  	v10 =	vor.u32 v8, v10;
	_ =	sdelay $0x3  }
0x6e: {  	[tilespmem:s31+$0x60] =	vst v9  }
0x6f: {  	v9 =	vld.idx.msk [tilespmem:v10+s3+$0x0], $0xffff;
	_ =	sdelay $0x4  }
0x70: {  	s14 =	simm.s32 $0x64;
	[tilespmem:s31+$0x70] =	vst v9  }
0x71: {  	[tilespmem:s9], [sflag:$0x2] =	stream.indirect.gather.add.f32 [hbm:s2], $0x80, s31, s8, $0xb8;
	[tilespmem:$0xB480] =	vst v63  }
.LBB2_6:
0x72: {  	p0 =	sne.s32 s14, $0x1  }
.Ltmp2:
0x73: {  	_ = 	snop;
	(pc) =	sbr.rel @p0 .LBB2_6-.Ltmp2, $4  }
0x74: {  	_ = 	snop  }
0x75: {  	_ =	swait.ge [sflag:s10], $0x4000  }
0x76: {  	[sflag:s10] =	ssyncset.done $0x0  }
0x77: {  	s14 =	sadd.s32 $0xFFFFFFFF, s14;
	[sflag:s10] =	ssyncadd.s32 $0xFFFFC000  }
0x78: {  	s14 =	simm.s32 $0x0  }
0x79: {  	v9 =	vmov s14  }
0x7a: {  	v9 =	vand.u32 $0x7F, v9  }
0x7b: {  	v9 =	vbroadcast v9, $0x0;
	_ =	sdelay $0x1  }
0x7c: {  	v10 =	vor.u32 v8, v9  }
0x7d: {  	v11 =	vor.u32 v0, v9  }
0x7e: {  	s29 =	simm.s32 $0x1;
	v12 =	vor.u32 v2, v9  }
0x7f: {  	v16 =	vmov s29;
	v13 =	vor.u32 v3, v9  }
0x80: {  	v16 =	vand.u32 $0x7F, v16;
	v15 =	vor.u32 v5, v9  }
0x81: {  	v16 =	vbroadcast v16, $0x0;
	v17 =	vor.u32 v6, v9;
	v10 =	vld.idx.msk [tilespmem:v10+s9+$0x0], $0xffff  }
0x82: {  	v18 =	vor.u32 v7, v9;
	v11 =	vld.idx.msk [tilespmem:v11+s9+$0x0], $0xffff  }
0x83: {  	v20 =	vor.u32 v8, v16;
	v12 =	vld.idx.msk [tilespmem:v12+s9+$0x0], $0xffff  }
0x84: {  	v19 =	vor.u32 v0, v16;
	v13 =	vld.idx.msk [tilespmem:v13+s9+$0x0], $0xffff  }
0x85: {  	v21 =	vor.u32 v2, v16;
	v15 =	vld.idx.msk [tilespmem:v15+s9+$0x0], $0xffff  }
0x86: {  	v14 =	vor.u32 v4, v9;
	v17 =	vld.idx.msk [tilespmem:v17+s9+$0x0], $0xffff  }
0x87: {  	v18 =	vld.idx.msk [tilespmem:v18+s9+$0x0], $0xffff  }
0x88: {  	v29 =	vld.idx.msk [tilespmem:v20+s9+$0x0], $0xffff  }
0x89: {  	v9 =	vimm.f32 $0.0e+00;
	v22 =	vor.u32 v3, v16;
	v23 =	vor.u32 v4, v16;
	v30 =	vld.idx.msk [tilespmem:v19+s9+$0x0], $0xffff  }
0x8a: {  	v25 =	vor.u32 v5, v16;
	v32 =	vld.idx.msk [tilespmem:v21+s9+$0x0], $0xffff;
	v10 =	vmul.f32 v10, v10;
	v11 =	vmul.f32 v11, v11  }
0x8b: {  	s30 =	simm.s32 $0x2;
	v28 =	vor.u32 v6, v16;
	v14 =	vld.idx.msk [tilespmem:v14+s9+$0x0], $0xffff;
	v12 =	vmul.f32 v12, v12;
	v13 =	vmul.f32 v13, v13  }
0x8c: {  	v15 =	vmul.f32 v15, v15;
	v31 =	vadd.f32 v10, v9;
	v10 =	vmov s30  }
0x8d: {  	v17 =	vmul.f32 v17, v17;
	v36 =	vmul.f32 v29, v29;
	v10 =	vand.u32 $0x7F, v10  }
0x8e: {  	s31 =	simm.s32 $0x3;
	v16 =	vor.u32 v7, v16;
	v37 =	vmul.f32 v30, v30;
	v10 =	vbroadcast v10, $0x0  }
0x8f: {  	v34 =	vld.idx.msk [tilespmem:v22+s9+$0x0], $0xffff;
	v29 =	vmul.f32 v18, v18;
	v30 =	vmul.f32 v32, v32;
	v32 =	vmov s31  }
0x90: {  	v33 =	vadd.f32 v11, v9;
	v11 =	vmul.f32 v14, v14;
	v35 =	vor.u32 v8, v10  }
0x91: {  	v26 =	vld.idx.msk [tilespmem:v23+s9+$0x0], $0xffff;
	v14 =	vadd.f32 v12, v9;
	v13 =	vadd.f32 v13, v9;
	v27 =	vor.u32 v0, v10  }
0x92: {  	v23 =	vld.idx.msk [tilespmem:v25+s9+$0x0], $0xffff;
	v15 =	vadd.f32 v15, v9;
	v17 =	vadd.f32 v17, v9;
	v22 =	vor.u32 v2, v10  }
0x93: {  	v25 =	vld.idx.msk [tilespmem:v28+s9+$0x0], $0xffff;
	v12 =	vadd.f32 v11, v9;
	v18 =	vadd.f32 v36, v31;
	v24 =	vor.u32 v3, v10  }
0x94: {  	v11 =	vld.idx.msk [tilespmem:v16+s9+$0x0], $0xffff;
	v16 =	vadd.f32 v37, v33;
	v31 =	vmul.f32 v34, v34;
	v21 =	vor.u32 v4, v10  }
0x95: {  	s14 =	simm.s32 $0x4;
	v20 =	vor.u32 v5, v10;
	v19 =	vor.u32 v6, v10;
	v10 =	vor.u32 v7, v10;
	v28 =	vld.idx.msk [tilespmem:v35+s9+$0x0], $0xffff  }
.LBB2_8:
0x96: {  	p0 =	sne.s32 s14, $0x7F;
	v32 =	vand.u32 $0x7F, v32;
	v33 =	vld.idx.msk [tilespmem:v27+s9+$0x0], $0xffff;
	v14 =	vadd.f32 v30, v14;
	v26 =	vmul.f32 v26, v26  }
0x97: {  	v30 =	vbroadcast v32, $0x0;
	v32 =	vld.idx.msk [tilespmem:v22+s9+$0x0], $0xffff;
	v13 =	vadd.f32 v31, v13;
	v31 =	vmul.f32 v23, v23  }
0x98: {  	v9 =	vadd.f32 v29, v9;
	v35 =	vmul.f32 v25, v25;
	v34 =	vld.idx.msk [tilespmem:v24+s9+$0x0], $0xffff;
	v12 =	vadd.f32 v26, v12  }
0x99: {  	v27 =	vor.u32 v0, v30;
	v22 =	vor.u32 v2, v30;
	v36 =	vor.u32 v8, v30;
	v26 =	vld.idx.msk [tilespmem:v21+s9+$0x0], $0xffff  }
.Ltmp3:
0x9a: {  	v24 =	vor.u32 v3, v30;
	v21 =	vor.u32 v4, v30;
	v23 =	vld.idx.msk [tilespmem:v20+s9+$0x0], $0xffff;
	v20 =	vor.u32 v5, v30;
	(pc) =	sbr.rel @p0 .LBB2_8-.Ltmp3, $4  }
0x9b: {  	v37 =	vor.u32 v7, v30;
	v28 =	vmul.f32 v28, v28;
	v25 =	vld.idx.msk [tilespmem:v19+s9+$0x0], $0xffff;
	v19 =	vor.u32 v6, v30  }
0x9c: {  	v29 =	vmul.f32 v11, v11;
	v15 =	vadd.f32 v31, v15;
	v33 =	vmul.f32 v33, v33;
	v11 =	vld.idx.msk [tilespmem:v10+s9+$0x0], $0xffff  }
0x9d: {  	v17 =	vadd.f32 v35, v17;
	v30 =	vmul.f32 v32, v32;
	v18 =	vadd.f32 v28, v18;
	v10 =	vmovc v37  }
0x9e: {  	v32 =	vmov s14;
	s14 =	sadd.s32 $0x1, s14;
	v16 =	vadd.f32 v33, v16;
	v31 =	vmul.f32 v34, v34;
	v28 =	vld.idx.msk [tilespmem:v36+s9+$0x0], $0xffff  }
0x9f: {  	_ =	sdelay $0x2  }
0xa0: {  	v32 =	vand.u32 $0x7F, v32  }
0xa1: {  	v27 =	vld.idx.msk [tilespmem:v27+s9+$0x0], $0xffff;
	v32 =	vbroadcast v32, $0x0  }
0xa2: {  	v22 =	vld.idx.msk [tilespmem:v22+s9+$0x0], $0xffff  }
0xa3: {  	v24 =	vld.idx.msk [tilespmem:v24+s9+$0x0], $0xffff;
	v14 =	vadd.f32 v30, v14;
	v33 =	vor.u32 v0, v32  }
0xa4: {  	v26 =	vmul.f32 v26, v26;
	v21 =	vld.idx.msk [tilespmem:v21+s9+$0x0], $0xffff;
	v23 =	vmul.f32 v23, v23;
	v34 =	vor.u32 v2, v32  }
0xa5: {  	v20 =	vld.idx.msk [tilespmem:v20+s9+$0x0], $0xffff;
	v9 =	vadd.f32 v29, v9;
	v13 =	vadd.f32 v31, v13;
	v47 =	vor.u32 v3, v32  }
0xa6: {  	v19 =	vld.idx.msk [tilespmem:v19+s9+$0x0], $0xffff;
	v25 =	vmul.f32 v25, v25;
	v12 =	vadd.f32 v26, v12;
	v48 =	vor.u32 v4, v32  }
0xa7: {  	v10 =	vld.idx.msk [tilespmem:v10+s9+$0x0], $0xffff;
	v15 =	vadd.f32 v23, v15;
	v11 =	vmul.f32 v11, v11;
	v50 =	vor.u32 v5, v32  }
0xa8: {  	v49 =	vor.u32 v8, v32;
	v35 =	vor.u32 v6, v32;
	v28 =	vmul.f32 v28, v28;
	v33 =	vld.idx.msk [tilespmem:v33+s9+$0x0], $0xffff  }
0xa9: {  	v32 =	vor.u32 v7, v32;
	v27 =	vmul.f32 v27, v27;
	v22 =	vmul.f32 v22, v22;
	v34 =	vld.idx.msk [tilespmem:v34+s9+$0x0], $0xffff  }
0xaa: {  	v17 =	vadd.f32 v25, v17;
	v24 =	vmul.f32 v24, v24;
	v21 =	vmul.f32 v21, v21;
	v51 =	vld.idx.msk [tilespmem:v47+s9+$0x0], $0xffff  }
0xab: {  	v9 =	vadd.f32 v11, v9;
	v20 =	vmul.f32 v20, v20;
	v19 =	vmul.f32 v19, v19;
	v52 =	vld.idx.msk [tilespmem:v48+s9+$0x0], $0xffff  }
0xac: {  	v10 =	vmul.f32 v10, v10;
	v18 =	vadd.f32 v28, v18;
	v16 =	vadd.f32 v27, v16;
	v53 =	vld.idx.msk [tilespmem:v50+s9+$0x0], $0xffff  }
0xad: {  	v14 =	vadd.f32 v22, v14;
	v13 =	vadd.f32 v24, v13;
	v11 =	vld.idx.msk [tilespmem:v35+s9+$0x0], $0xffff;
	v54 =	vmul.f32 v33, v33  }
0xae: {  	v12 =	vadd.f32 v21, v12;
	v15 =	vadd.f32 v20, v15;
	v55 =	vld.idx.msk [tilespmem:v32+s9+$0x0], $0xffff;
	v56 =	vmul.f32 v34, v34  }
0xaf: {  	v17 =	vadd.f32 v19, v17;
	v26 =	vld.idx.msk [tilespmem:v49+s9+$0x0], $0xffff;
	v23 =	vmul.f32 v51, v51;
	v16 =	vadd.f32 v54, v16  }
0xb0: {  	v9 =	vadd.f32 v10, v9;
	v57 =	vmul.f32 v52, v52;
	v14 =	vadd.f32 v56, v14  }
0xb1: {  	v58 =	vmul.f32 v53, v53;
	v13 =	vadd.f32 v23, v13;
	v16 =	vmul.f32 $5.000000000e-01, v16  }
0xb2: {  	v11 =	vmul.f32 v11, v11;
	v12 =	vadd.f32 v57, v12;
	v10 =	vmul.f32 $5.000000000e-01, v14  }
0xb3: {  	v60 =	vmul.f32 v55, v55;
	v59 =	vadd.f32 v58, v15;
	v13 =	vmul.f32 $5.000000000e-01, v13;
	[tilespmem:$0xB400] =	vst v16  }
0xb4: {  	v61 =	vmul.f32 v26, v26;
	v11 =	vadd.f32 v11, v17;
	[tilespmem:$0xB410] =	vst v10;
	v10 =	vmul.f32 $5.000000000e-01, v12  }
0xb5: {  	v9 =	vadd.f32 v60, v9;
	v62 =	vmul.f32 $5.000000000e-01, v59;
	[tilespmem:$0xB420] =	vst v13  }
0xb6: {  	v63 =	vadd.f32 v61, v18;
	[tilespmem:$0xB430] =	vst v10;
	v10 =	vmul.f32 $5.000000000e-01, v11  }
0xb7: {  	v9 =	vmul.f32 $5.000000000e-01, v9;
	[tilespmem:$0xB440] =	vst v62  }
0xb8: {  	s13 =	sadd.s32 $0x1, s13;
	[tilespmem:$0xB450] =	vst v10;
	v10 =	vmul.f32 $5.000000000e-01, v63  }
0xb9: {  	p0 =	sne.s32 s13, s6;
	[tilespmem:$0xB460] =	vst v9  }
.Ltmp4:
0xba: {  	[tilespmem:$0xB470] =	vst v10;
	(pc) =	sbr.rel @p0 .LBB2_1-.Ltmp4, $4  }
0xbb: {  	[hbm4b:s5+s3] =	stream.linear.scatter [tilespmem:s11], [sflag:$0x3], $0x80, $0x38;
	[tilespmem:$0xB480] =	vst v63  }
0xbc: {  	_ =	swait.ge [sflag:s12], $0x80  }
0xbd: {  	[sflag:s12] =	ssyncset.done $0x0  }
0xbe: {  	[sflag:s12] =	ssyncadd.s32 $0xFFFFFF80  }
0xbf: {  	_ =	sfence.sel $0x180000  }
0xc0: {  	[bflag:$0x0] =	sbarrier.arrive $0xFFFF  }
0xc1: {  	p0 =	sne.s32 s1, $0x0;
	_ =	strace $0x90000047  }
0xc2: {  	s0 =	sadd.s32 @!p0 $0x100000, s0;
	[bflag:$0x2] =	sbarrier.arrive $0xFFFF  }
0xc3: {  	[sflag:s0] =	ssyncadd.tile.s32 @!p0 $0x1;
	_ =	shalt  }
.Lfunc_end2:
_tile_overlayer_lowered:
.L_overlay_start_2:
0xc4: {  	(tag) =	ssettag $0x2  }
0xc5: {  	s0 =	rddreg [dreg:$0x0];
	s2 =	stileid.u32  }
0xc6: {  	s1 =	rddreg [dreg:$0x1];
	p0 =	sne.s32 s2, $0x0  }
0xc7: {  	s3 =	rddreg [dreg:$0x2];
	[bflag:$0x3] =	sbarrier.arrive $0xFFFF;
	s2 =	simm.s32 @!p0 $0x1C03  }
0xc8: {  	[timem:s3], [sflag:s2] =	dma.local @!p0 [hbm:s0], s1  }
0xc9: {  	s0 =	simm.s32 @!p0 $0x3  }
0xca: {  	_ =	swait.ge @!p0 [sflag:s0], s1  }
0xcb: {  	s1 =	ssub.s32 @!p0 $0x0, s1;
	[sflag:s0] =	ssyncset.done @!p0 $0x0  }
0xcc: {  	[sflag:s0] =	ssyncadd.s32 @!p0 s1  }
0xcd: {  	[bflag:$0x3] =	sbarrier.arrive $0xFFFF  }
0xce: {  	_ =	shalt  }

// kernel: kernel.8.cloned.1.call-start
scs
__scs_entry_jumppad:
0x0: {  	(pc) =	sbr.rel $0x88, $3  }
0x1: {  	(tag) =	ssettag $0x0;
	lr =	simm.s32 $0x1  }
0x2: {  	[smem:$0x3F9E] =	sst lr;
	_ =	strace $0xD0000000  }
0x3: {  	_ = 	snop  }
0x4: {  	_ = 	snop  }
0x5: {  	_ = 	snop  }
0x6: {  	_ = 	snop  }
0x7: {  	_ = 	snop  }
__scs_overlays_trampoline_lowered:
0x8: {  	[smem:$0x3FAD] =	sst s0  }
0x9: {  	[smem:$0x3FAE] =	sst s1  }
0xa: {  	[smem:$0x3FAF] =	sst s2  }
0xb: {  	[smem:$0x3FB0] =	sst s3  }
0xc: {  	[smem:$0x3FB1] =	sst s4  }
0xd: {  	[smem:$0x3FB2] =	sst s5  }
0xe: {  	[smem:$0x3FB3] =	sst s6  }
0xf: {  	[smem:$0x3FB4] =	sst s7  }
0x10: {  	[smem:$0x3FB5] =	sst s8  }
0x11: {  	[smem:$0x3FB6] =	sst s9;
	s0 =	simm.s32 @!p0 $0x0  }
0x12: {  	s1 =	sld [smem:$0x3F9C];
	s0 =	simm.s32 @p0 $0x1  }
0x13: {  	[smem:$0x3FB7] =	sst s0;
	s0 =	simm.s32 @!p1 $0x0  }
0x14: {  	s2 =	sld [smem:$0x3F9B];
	s0 =	simm.s32 @p1 $0x1  }
0x15: {  	[smem:$0x3FB8] =	sst s0;
	s0 =	simm.s32 @!p2 $0x0  }
0x16: {  	s3 =	sld [smem:$0x3FDB];
	s0 =	simm.s32 @p2 $0x1  }
0x17: {  	s4 =	simm.s32 $0x1BF5;
	[smem:$0x3FBA] =	sst s0  }
0x18: {  	s0 =	sld [smem:$0x3F9D];
	_ =	swait.ge [sflag:s4], $0x0  }
0x19: {  	s7 =	sld [smem:$0x3F9E]  }
0x1a: {  	s8 =	sadd.s32 $0xFFFFE003, lr  }
0x1b: {  	s9 =	sadd.s32 $0xFFFFFEF7, lr;
	s5 =	simm.s32 $0xFFFFFFFF;
	p2 =	slt.u32 s8, $0xFFFFF086  }
0x1c: {  	p1 =	slt.u32 s9, $0xF7A;
	s5 =	simm.s32 @!p2 $0x0  }
0x1d: {  	s5 =	simm.s32 @p1 $0x1;
	p0 =	seq.s32 s7, s2  }
0x1e: {  	s7 =	smul.u32 @!p0 $0xF7A, s2;
	p2 =	seq.s32 @!p0 s5, $0x0  }
0x1f: {  	s9 =	smul.u32 $0xF7A, s1;
	s8 =	simm.s32 @!p0 $0x1BF5;
	p2 =	por !p2, p0  }
0x20: {  	[sflag:s8] =	ssyncset.s32 @!p0 $0xFFFFF086;
	s6 =	sadd.s32 @!p0 s3, s7;
	s7 =	simm.s32 @!p0 $0x108  }
0x21: {  	s3 =	sadd.s32 s3, s9;
	s6 =	sadd.s32 @!p0 $0x88, s6;
	s7 =	simm.s32 @p2 $0x1082  }
0x22: {  	[simem:s7], [sflag:s8] =	dma.local @!p0 [hbm:s6], $0xF7A  }
0x23: {  	s9 =	sor.u32 $0xD0000000, s2;
	s6 =	simm.s32 $0x108;
	_ =	swait.ge @!p0 [sflag:s8], $0x0  }
0x24: {  	s3 =	sadd.s32 $0x88, s3;
	s6 =	simm.s32 @!p1 $0x1082;
	[sflag:s4] =	ssyncset.s32 $0xFFFFF086  }
0x25: {  	[simem:s6], [sflag:s4] =	dma.local [hbm:s3], $0xF7A  }
0x26: {  	[smem:$0x3F9E] =	sst s1;
	(tag) =	ssettag s2;
	_ =	strace s9  }
0x27: {  	s1 =	sld [smem:$0x3FAE]  }
0x28: {  	s2 =	sld [smem:$0x3FAF]  }
0x29: {  	s4 =	sld [smem:$0x3FB1]  }
0x2a: {  	p0 =	seq.s32 s5, $0x0;
	s5 =	sld [smem:$0x3FB2]  }
0x2b: {  	s6 =	sld [smem:$0x3FB3]  }
0x2c: {  	s7 =	sld [smem:$0x3FB4]  }
0x2d: {  	s3 =	simm.s32 $0x108;
	s8 =	sld [smem:$0x3FB5]  }
0x2e: {  	s3 =	simm.s32 @!p0 $0x1082;
	s9 =	sld [smem:$0x3FB6]  }
0x2f: {  	lr =	sadd.s32 s0, s3;
	s0 =	sld [smem:$0x3FAD]  }
0x30: {  	s3 =	sld [smem:$0x3FB0]  }
0x31: {  	[smem:$0x3FB9] =	sst s10  }
0x32: {  	s10 =	sld [smem:$0x3FB7];
	_ =	sdelay $0x3  }
0x33: {  	p0 =	seq.s32 s10, $0x1;
	s10 =	sld [smem:$0x3FB9];
	_ =	sdelay $0x3  }
0x34: {  	[smem:$0x3FB9] =	sst s10  }
0x35: {  	s10 =	sld [smem:$0x3FB8];
	_ =	sdelay $0x3  }
0x36: {  	p1 =	seq.s32 s10, $0x1;
	s10 =	sld [smem:$0x3FB9];
	_ =	sdelay $0x3  }
0x37: {  	[smem:$0x3FB9] =	sst s10  }
0x38: {  	s10 =	sld [smem:$0x3FBA]  }
0x39: {  	_ = 	snop;
	(pc) =	sbr.ind lr, $3  }
0x3a: {  	_ = 	snop  }
0x3b: {  	_ = 	snop  }
0x3c: {  	p2 =	seq.s32 s10, $0x1;
	s10 =	sld [smem:$0x3FB9]  }
0x3d: {  	_ =	shalt  }
0x3e: {  	_ =	shalt  }
0x3f: {  	_ =	shalt  }
0x40: {  	_ =	shalt  }
0x41: {  	_ =	shalt  }
0x42: {  	_ =	shalt  }
0x43: {  	_ =	shalt  }
0x44: {  	_ =	shalt  }
0x45: {  	_ =	shalt  }
0x46: {  	_ =	shalt  }
0x47: {  	_ =	shalt  }
0x48: {  	_ =	shalt  }
0x49: {  	_ =	shalt  }
0x4a: {  	_ =	shalt  }
0x4b: {  	_ =	shalt  }
0x4c: {  	_ =	shalt  }
0x4d: {  	_ =	shalt  }
0x4e: {  	_ =	shalt  }
0x4f: {  	_ =	shalt  }
0x50: {  	_ =	shalt  }
0x51: {  	_ =	shalt  }
0x52: {  	_ =	shalt  }
0x53: {  	_ =	shalt  }
0x54: {  	_ =	shalt  }
0x55: {  	_ =	shalt  }
0x56: {  	_ =	shalt  }
0x57: {  	_ =	shalt  }
0x58: {  	_ =	shalt  }
0x59: {  	_ =	shalt  }
0x5a: {  	_ =	shalt  }
0x5b: {  	_ =	shalt  }
0x5c: {  	_ =	shalt  }
0x5d: {  	_ =	shalt  }
0x5e: {  	_ =	shalt  }
0x5f: {  	_ =	shalt  }
0x60: {  	_ =	shalt  }
0x61: {  	_ =	shalt  }
0x62: {  	_ =	shalt  }
0x63: {  	_ =	shalt  }
0x64: {  	_ =	shalt  }
0x65: {  	_ =	shalt  }
0x66: {  	_ =	shalt  }
0x67: {  	_ =	shalt  }
0x68: {  	_ =	shalt  }
0x69: {  	_ =	shalt  }
0x6a: {  	_ =	shalt  }
0x6b: {  	_ =	shalt  }
0x6c: {  	_ =	shalt  }
0x6d: {  	_ =	shalt  }
0x6e: {  	_ =	shalt  }
0x6f: {  	_ =	shalt  }
0x70: {  	_ =	shalt  }
0x71: {  	_ =	shalt  }
0x72: {  	_ =	shalt  }
0x73: {  	_ =	shalt  }
0x74: {  	_ =	shalt  }
0x75: {  	_ =	shalt  }
0x76: {  	_ =	shalt  }
0x77: {  	_ =	shalt  }
0x78: {  	_ =	shalt  }
0x79: {  	_ =	shalt  }
0x7a: {  	_ =	shalt  }
0x7b: {  	_ =	shalt  }
0x7c: {  	_ =	shalt  }
0x7d: {  	_ =	shalt  }
0x7e: {  	_ =	shalt  }
0x7f: {  	_ =	shalt  }
0x80: {  	_ =	shalt  }
0x81: {  	_ =	shalt  }
0x82: {  	_ =	shalt  }
0x83: {  	_ =	shalt  }
0x84: {  	_ =	shalt  }
0x85: {  	_ =	shalt  }
0x86: {  	_ =	shalt  }
0x87: {  	_ =	shalt  }
.Lfunc_end0:
.L_simem_size_0:
called_computation.1_lowered:
.L_overlay_start_0:
0x88: {  	s2 =	sld [smem:$0x3FD9]  }
0x89: {  	s3 =	sld [smem:$0x3FFE];
	_ =	sdelay $0x1  }
0x8a: {  	s1 =	srdreg.scid  }
0x8b: {  	s0 =	sand.u32 $0x1, s1  }
0x8c: {  	s17 =	sshll.u32 s0, $0xA;
	s2 =	sadd.s32 s3, s2  }
0x8d: {  	s2 =	sadd.s32 s2, s17  }
0x8e: {  	[smem:$0x3FC5] =	sst s2  }
0x8f: {  	_ = 	snop  }
0x90: {  	s2 =	sld [smem:$0x3FD0];
	(tm) =	ssettm $0x1  }
0x91: {  	s18 =	sld [smem:$0x3FFB];
	_ =	sdelay $0x3  }
0x92: {  	_ =	strace s18  }
0x93: {  	s3 =	sld [smem:$0x3FFC];
	_ =	sdelay $0x3  }
0x94: {  	_ =	strace s3  }
0x95: {  	s3 =	sld [smem:$0x3FFD];
	_ =	sdelay $0x3  }
0x96: {  	_ =	strace s3  }
0x97: {  	_ =	strace $0x8FFFFFFF  }
0x98: {  	s19 =	sld [smem:$0x3FDB];
	_ =	sdelay $0x1  }
0x99: {  	s4 =	simm.s32 $_scs_section_size  }
0x9a: {  	s5 =	simm.s32 $_size__tile_overlayer_lowered;
	s6 =	simm.s32 $_tile_overlayer_lowered  }
0x9b: {  	s22 =	simm.s32 $0x1BFF;
	s21 =	sshll.u32 s6, $0x1;
	s3 =	sadd.s32 s4, s19  }
0x9c: {  	s7 =	simm.s32 $0x0;
	s20 =	sshll.u32 s5, $0x1;
	s5 =	sadd.s32 s21, s3  }
0x9d: {  	[timem:s7], [sflag:s22] =	dma.local [hbm:s5], s20  }
0x9e: {  	_ =	swait.ge [sflag:s22], s20  }
0x9f: {  	s4 =	ssub.s32 $0x0, s20;
	[sflag:s22] =	ssyncset.done $0x0  }
0xa0: {  	[sflag:s22] =	ssyncadd.s32 s4;
	_ =	sdelay $0x1  }
0xa1: {  	s23 =	simm.s32 $0x1B8B  }
0xa2: {  	_ =	swait.ge [sflag:s23], $0x1  }
0xa3: {  	[sflag:s23] =	ssyncset.done $0x0  }
0xa4: {  	s25 =	simm.s32 $0x1B8E;
	s24 =	sld [smem:$0x3FFE];
	[sflag:s23] =	ssyncadd.s32 $0xFFFFFFFF  }
0xa5: {  	s26 =	simm.s32 $execute0_lowered;
	[smem:$0x3FD2] =	sst s25  }
0xa6: {  	s5 =	sshll.u32 s26, $0x1;
	_ =	strace $0x80000049;
	[dreg:$0x1] =	wrdreg $0xFFFFFFFF  }
0xa7: {  	s28 =	simm.s32 $_size_execute0_lowered;
	s3 =	sadd.s32 s3, s5;
	[dreg:$0x0] =	wrdreg $0x0  }
0xa8: {  	s5 =	sshll.u32 s28, $0x1;
	[dreg:$0x2] =	wrdreg s3  }
0xa9: {  	[dreg:$0x3] =	wrdreg s5  }
0xaa: {  	[dreg:$0x4] =	wrdreg $0xC0  }
0xab: {  	_ =	task [dreg:s7], $0x5FFFF  }
0xac: {  	[dreg:$0x1] =	wrdreg $0xFFFFFFFF  }
0xad: {  	[dreg:$0x0] =	wrdreg $0x60  }
0xae: {  	[dreg:$0x2] =	wrdreg s24  }
0xaf: {  	[dreg:$0x3] =	wrdreg s2  }
0xb0: {  	[dreg:$0x4] =	wrdreg $0x9  }
0xb1: {  	_ =	task.clear_ibuf [dreg:s7], $0x5FFFF;
	_ =	strace $0x90000049  }
0xb2: {  	s29 =	simm.s32 $0x9;
	_ =	strace $0x8000004B  }
0xb3: {  	_ =	swait.ge [sflag:s29], $0x1  }
0xb4: {  	[sflag:s29] =	ssyncadd.s32 $0xFFFFFFFF  }
0xb5: {  	_ =	strace $0x9000004B  }
0xb6: {  	_ =	sfence  }
0xb7: {  	s30 =	sld [smem:$0x0];
	_ =	sdelay $0x2  }
0xb8: {  	s31 =	sshll.u32 s1, $0xD;
	s1 =	sshrl.u32 s1, $0x2  }
0xb9: {  	s3 =	sand.u32 $0x4000, s31;
	s1 =	sadd.s32 s1, s30  }
0xba: {  	s0 =	sor.u32 s3, s0;
	s1 =	sshll.u32 s1, $0x11  }
0xbb: {  	s0 =	sor.u32 s1, s0  }
0xbc: {  	s0 =	sadd.s32 $0x8F2B, s0  }
0xbd: {  	[sflag:s0] =	ssyncadd.remote.s32 $0x1  }
0xbe: {  	_ =	sfence.sel $0xFFFF  }
0xbf: {  	[dreg:$0x0] =	wrdreg $0xFFFFFFFF;
	(pc) =	sbr.abs _section_cstart, $3  }
0xc0: {  	[dreg:$0x1] =	wrdreg $0xFFFFFFFF  }
0xc1: {  	_ =	task.clear_ibuf [dreg:s7], $0x2FFFF;
	_ =	strace $0x9FFFFFFF  }
0xc2: {  	(tm) =	ssettm $0x7FFFFFFF  }
0xc3: {  	_ =	shalt  }
tec
execute0_lowered:
.L_overlay_start_1:
0x0: {  	(tag) =	ssettag $0x1  }
0x1: {  	s0 =	srdreg.scid;
	s1 =	stileid.u32  }
0x2: {  	s28 =	simm.s32 $0x1FB00;
	s3 =	sand.u32 $0x1, s0;
	s20 =	sshll.u32 s1, $0x1  }
0x3: {  	s29 =	simm.s32 $0x2;
	s30 =	simm.s32 $0x3;
	s2 =	sor.u32 s3, s20  }
0x4: {  	s0 =	rddreg [dreg:$0x0];
	s1 =	simm.s32 $0x0;
	s6 =	smul.u32 $0x1A, s2  }
0x5: {  	s31 =	simm.s32 $0x1;
	[smem:$0x7FF] =	sst s1;
	s3 =	ssub.s32 $0x2, s3  }
0x6: {  	s8 =	sshrl.u32 s3, $0x1;
	s4 =	sshrl.u32 s6, $0x8;
	s5 =	sadd.s32 $0x1A, s6  }
0x7: {  	s9 =	sadd.s32 $0x34, s6;
	s23 =	sadd.s32 $0x4E, s6;
	s10 =	sadd.s32 $0x68, s6  }
0x8: {  	s7 =	smul.u32 $0xA, s4;
	s21 =	sshrl.u32 s5, $0x8;
	s22 =	sshrl.u32 s9, $0x8  }
0x9: {  	s24 =	sshrl.u32 s23, $0x8;
	s11 =	sshrl.u32 s10, $0x8;
	s10 =	sadd.s32 $0xD0, s6  }
0xa: {  	s5 =	smul.u32 $0xA, s21;
	s21 =	sadd.s32 $0x9C, s6;
	s10 =	sshrl.u32 s10, $0x8  }
0xb: {  	s7 =	ssub.s32 s2, s7;
	s9 =	sshrl.u32 s21, $0x8;
	s10 =	smul.u32 $0xA, s10  }
0xc: {  	s7 =	sand.u32 $0xFF, s7;
	s5 =	ssub.s32 s2, s5;
	s23 =	smul.u32 $0xA, s9  }
0xd: {  	s3 =	ssub.s32 s3, s8;
	s12 =	smul.u32 $0x2710, s7;
	s5 =	sadd.s32 $0x1, s5  }
0xe: {  	s13 =	sadd.s32 $0x82, s6;
	s7 =	smul.u32 $0xA, s22;
	s5 =	sand.u32 $0xFF, s5  }
0xf: {  	s4 =	sadd.s32 $0x10800, s0;
	s14 =	sshrl.u32 s13, $0x8;
	s17 =	smul.u32 $0x2710, s5  }
0x10: {  	s25 =	sshrl.u32 s12, $0x3;
	s7 =	ssub.s32 s2, s7;
	s5 =	smul.u32 $0xA, s24  }
0x11: {  	s8 =	sadd.s32 s4, s25;
	s7 =	sadd.s32 $0x2, s7;
	s25 =	sadd.s32 $0xB6, s6  }
0x12: {  	s6 =	sadd.s32 $0xEA, s6;
	[dreg:$0x3] =	wrdreg s8;
	s7 =	sand.u32 $0xFF, s7  }
0x13: {  	s26 =	sshrl.u32 s17, $0x3;
	s5 =	ssub.s32 s2, s5;
	s18 =	smul.u32 $0x2710, s7  }
0x14: {  	s6 =	sshrl.u32 s6, $0x8;
	s17 =	sadd.s32 $0x7400, s17;
	s7 =	smul.u32 $0xA, s11  }
0x15: {  	s5 =	sadd.s32 $0x3, s5;
	s8 =	sadd.s32 s4, s26;
	s6 =	smul.u32 $0xA, s6  }
0x16: {  	s26 =	ssub.s32 s2, s10;
	s5 =	sand.u32 $0xFF, s5;
	[dreg:$0x4] =	wrdreg s8  }
0x17: {  	s19 =	smul.u32 $0x2710, s5;
	s15 =	sshrl.u32 s18, $0x3;
	s7 =	ssub.s32 s2, s7  }
0x18: {  	s5 =	smul.u32 $0xA, s14;
	s6 =	ssub.s32 s2, s6;
	s18 =	sadd.s32 $0x7400, s18  }
0x19: {  	s8 =	sadd.s32 s4, s15;
	s7 =	sadd.s32 $0x4, s7;
	s10 =	sadd.s32 $0x9, s6  }
0x1a: {  	[dreg:$0x5] =	wrdreg s8;
	s16 =	sshrl.u32 s19, $0x3;
	s7 =	sand.u32 $0xFF, s7  }
0x1b: {  	s5 =	ssub.s32 s2, s5;
	s8 =	ssub.s32 s2, s23;
	s11 =	sand.u32 $0xFF, s10  }
0x1c: {  	s19 =	sadd.s32 $0x7400, s19;
	s20 =	smul.u32 $0x2710, s7;
	s22 =	sadd.s32 $0x5, s5  }
0x1d: {  	s5 =	sadd.s32 s4, s16;
	s8 =	sadd.s32 $0x6, s8;
	s7 =	sand.u32 $0xFF, s22  }
0x1e: {  	s8 =	sand.u32 $0xFF, s8;
	s24 =	sshrl.u32 s20, $0x3;
	s21 =	smul.u32 $0x2710, s7  }
0x1f: {  	s7 =	sshrl.u32 s25, $0x8;
	s22 =	smul.u32 $0x2710, s8;
	s8 =	sadd.s32 $0x8, s26  }
0x20: {  	s25 =	smul.u32 $0x2710, s11;
	s26 =	sshll.u32 s2, $0xB;
	s20 =	sadd.s32 $0x7400, s20  }
0x21: {  	s7 =	smul.u32 $0xA, s7;
	s8 =	sand.u32 $0xFF, s8;
	s6 =	sadd.s32 s4, s24  }
0x22: {  	s24 =	smul.u32 $0x2710, s8;
	s13 =	sshrl.u32 s21, $0x3;
	s14 =	sshrl.u32 s22, $0x3  }
0x23: {  	s11 =	sshrl.u32 s25, $0x3;
	s21 =	sadd.s32 $0x7400, s21;
	s22 =	sadd.s32 $0x7400, s22  }
0x24: {  	s25 =	sadd.s32 $0x7400, s25;
	s7 =	ssub.s32 s2, s7;
	s8 =	sadd.s32 s4, s14  }
0x25: {  	s11 =	sadd.s32 s4, s11;
	s2 =	sshll.u32 s2, $0x4;
	s7 =	sadd.s32 $0x7, s7  }
0x26: {  	s16 =	sshrl.u32 s24, $0x3;
	s24 =	sadd.s32 $0x7400, s24;
	s7 =	sand.u32 $0xFF, s7  }
0x27: {  	v0 =	vlaneseq.u32;
	s10 =	sadd.s32 s4, s16;
	s16 =	sadd.s32 $0x7400, s12;
	s23 =	smul.u32 $0x2710, s7  }
0x28: {  	v0 =	vmul.u32 $0x80, v0;
	s12 =	simm.s32 $0x7400;
	s7 =	sadd.s32 s4, s13;
	s13 =	rddreg [dreg:$0x1]  }
0x29: {  	_ =	strace $0x8000004A;
	s13 =	sadd.s32 s13, s2;
	s15 =	sshrl.u32 s23, $0x3  }
0x2a: {  	v1 =	vor.u32 $0x800, v0;
	s23 =	sadd.s32 $0x7400, s23;
	s9 =	sadd.s32 s4, s15;
	s4 =	sadd.s32 s26, s0  }
0x2b: {  	v2 =	vor.u32 $0x1000, v0;
	v3 =	vor.u32 $0x1800, v0;
	v4 =	vor.u32 $0x2000, v0;
	s0 =	sadd.s32 s2, s0;
	s26 =	smax.u32 s3, $0x1;
	s2 =	simm.s32 $0x0  }
0x2c: {  	v5 =	vor.u32 $0x2800, v0;
	v6 =	vor.u32 $0x3000, v0;
	v7 =	vor.u32 $0x3800, v0;
	s14 =	sadd.s32 $0x600, s4;
	s15 =	sadd.s32 $0x10600, s0;
	s0 =	simm.s32 $0x4  }
.LBB2_1:
0x2d: {  	[tilespmem:s1], [sflag:$0x2] =	stream.linear.gather [hbm4b:s14+s1], $0x4000, $0x38;
	[tilespmem:$0x1FB80] =	vst v63  }
0x2e: {  	_ = 	snop  }
0x2f: {  	[tilespmem:s28], [sflag:$0x3] =	stream.linear.gather [hbm4b:s15+s1], $0x80, $0x38;
	[tilespmem:$0x1FB80] =	vst v63  }
0x30: {  	s3 =	rddreg [dreg:$0x3]  }
0x31: {  	[tilespmem:s16], [sflag:$0x1] =	stream.linear.gather [hbm4b:s3+s1], $0x2710, $0x38;
	[tilespmem:$0x1FB80] =	vst v63  }
0x32: {  	s4 =	rddreg [dreg:$0x4]  }
0x33: {  	[tilespmem:s17], [sflag:$0x1] =	stream.linear.gather [hbm4b:s4+s1], $0x2710, $0x38;
	[tilespmem:$0x1FB80] =	vst v63  }
0x34: {  	s4 =	rddreg [dreg:$0x5]  }
0x35: {  	[tilespmem:s18], [sflag:$0x1] =	stream.linear.gather [hbm4b:s4+s1], $0x2710, $0x38;
	[tilespmem:$0x1FB80] =	vst v63  }
0x36: {  	_ = 	snop  }
0x37: {  	[tilespmem:s19], [sflag:$0x1] =	stream.linear.gather [hbm4b:s5+s1], $0x2710, $0x38;
	[tilespmem:$0x1FB80] =	vst v63  }
0x38: {  	_ = 	snop  }
0x39: {  	[tilespmem:s20], [sflag:$0x1] =	stream.linear.gather [hbm4b:s6+s1], $0x2710, $0x38;
	[tilespmem:$0x1FB80] =	vst v63  }
0x3a: {  	_ = 	snop  }
0x3b: {  	[tilespmem:s21], [sflag:$0x1] =	stream.linear.gather [hbm4b:s7+s1], $0x2710, $0x38;
	[tilespmem:$0x1FB80] =	vst v63  }
0x3c: {  	_ = 	snop  }
0x3d: {  	[tilespmem:s22], [sflag:$0x1] =	stream.linear.gather [hbm4b:s8+s1], $0x2710, $0x38;
	[tilespmem:$0x1FB80] =	vst v63  }
0x3e: {  	_ = 	snop  }
0x3f: {  	[tilespmem:s23], [sflag:$0x1] =	stream.linear.gather [hbm4b:s9+s1], $0x2710, $0x38;
	[tilespmem:$0x1FB80] =	vst v63  }
0x40: {  	_ = 	snop  }
0x41: {  	v8 =	vmov s1;
	[tilespmem:s24], [sflag:$0x1] =	stream.linear.gather [hbm4b:s10+s1], $0x2710, $0x38;
	[tilespmem:$0x1FB80] =	vst v63  }
0x42: {  	v8 =	vand.u32 $0x7F, v8  }
0x43: {  	v8 =	vbroadcast v8, $0x0;
	[tilespmem:s25], [sflag:$0x1] =	stream.linear.gather [hbm4b:s11+s1], $0x2710, $0x38;
	[tilespmem:$0x1FB80] =	vst v63  }
0x44: {  	_ =	swait.ge [sflag:s29], $0x4000  }
0x45: {  	v9 =	vor.u32 v0, v8;
	[sflag:s29] =	ssyncset.done $0x0  }
0x46: {  	[sflag:s29] =	ssyncadd.s32 $0xFFFFC000  }
0x47: {  	_ =	swait.ge [sflag:s30], $0x80  }
0x48: {  	[sflag:s30] =	ssyncset.done $0x0  }
0x49: {  	[sflag:s30] =	ssyncadd.s32 $0xFFFFFF80  }
0x4a: {  	v9 =	vld.idx.msk [tilespmem:v9+s1+$0x0], $0xffff  }
0x4b: {  	v10 =	vor.u32 v1, v8;
	_ =	sdelay $0x2  }
0x4c: {  	s3 =	simm.s32 $0x4040  }
0x4d: {  	[tilespmem:s3+$0xFFFFFFC0] =	vst v9  }
0x4e: {  	v9 =	vld.idx.msk [tilespmem:v10+s1+$0x0], $0xffff  }
0x4f: {  	v10 =	vor.u32 v2, v8;
	_ =	sdelay $0x3  }
0x50: {  	[tilespmem:s3+$0xFFFFFFD0] =	vst v9  }
0x51: {  	v9 =	vld.idx.msk [tilespmem:v10+s1+$0x0], $0xffff  }
0x52: {  	v10 =	vor.u32 v3, v8;
	_ =	sdelay $0x3  }
0x53: {  	[tilespmem:s3+$0xFFFFFFE0] =	vst v9  }
0x54: {  	v9 =	vld.idx.msk [tilespmem:v10+s1+$0x0], $0xffff  }
0x55: {  	v10 =	vor.u32 v4, v8;
	_ =	sdelay $0x3  }
0x56: {  	[tilespmem:s3+$0xFFFFFFF0] =	vst v9  }
0x57: {  	v9 =	vld.idx.msk [tilespmem:v10+s1+$0x0], $0xffff  }
0x58: {  	v10 =	vor.u32 v5, v8;
	_ =	sdelay $0x3  }
0x59: {  	[tilespmem:s3+$0x0] =	vst v9  }
0x5a: {  	v9 =	vld.idx.msk [tilespmem:v10+s1+$0x0], $0xffff  }
0x5b: {  	v10 =	vor.u32 v6, v8;
	_ =	sdelay $0x3  }
0x5c: {  	[tilespmem:s3+$0x10] =	vst v9  }
0x5d: {  	v9 =	vld.idx.msk [tilespmem:v10+s1+$0x0], $0xffff  }
0x5e: {  	v8 =	vor.u32 v7, v8;
	_ =	sdelay $0x1  }
0x5f: {  	s4 =	simm.s32 $0x1  }
0x60: {  	v10 =	vmov s4;
	s4 =	simm.s32 $0x2  }
.LBB2_2:
0x61: {  	p0 =	sne.s32 s4, $0x63;
	v10 =	vand.u32 $0x7F, v10;
	[tilespmem:s3+$0x20] =	vst v9  }
0x62: {  	v10 =	vbroadcast v10, $0x0;
	v8 =	vld.idx.msk [tilespmem:v8+s1+$0x0], $0xffff;
	_ =	sdelay $0x1  }
0x63: {  	v9 =	vor.u32 v0, v10;
	_ =	sdelay $0x3  }
0x64: {  	[tilespmem:s3+$0x30] =	vst v8  }
0x65: {  	v8 =	vld.idx.msk [tilespmem:v9+s1+$0x0], $0xffff;
	_ =	sdelay $0x1  }
0x66: {  	v9 =	vor.u32 v1, v10;
	_ =	sdelay $0x2  }
0x67: {  	s3 =	sadd.s32 $0x80, s3  }
0x68: {  	[tilespmem:s3+$0xFFFFFFC0] =	vst v8  }
0x69: {  	v8 =	vld.idx.msk [tilespmem:v9+s1+$0x0], $0xffff;
	_ =	sdelay $0x1  }
0x6a: {  	v9 =	vor.u32 v2, v10;
	_ =	sdelay $0x3  }
0x6b: {  	[tilespmem:s3+$0xFFFFFFD0] =	vst v8  }
0x6c: {  	v8 =	vld.idx.msk [tilespmem:v9+s1+$0x0], $0xffff;
	_ =	sdelay $0x1  }
0x6d: {  	v9 =	vor.u32 v3, v10;
	_ =	sdelay $0x3  }
0x6e: {  	[tilespmem:s3+$0xFFFFFFE0] =	vst v8  }
0x6f: {  	v8 =	vld.idx.msk [tilespmem:v9+s1+$0x0], $0xffff;
	_ =	sdelay $0x1  }
0x70: {  	v9 =	vor.u32 v4, v10;
	_ =	sdelay $0x3  }
0x71: {  	[tilespmem:s3+$0xFFFFFFF0] =	vst v8  }
0x72: {  	v8 =	vld.idx.msk [tilespmem:v9+s1+$0x0], $0xffff;
	_ =	sdelay $0x1  }
0x73: {  	v9 =	vor.u32 v5, v10;
	_ =	sdelay $0x3  }
0x74: {  	[tilespmem:s3+$0x0] =	vst v8  }
0x75: {  	v8 =	vld.idx.msk [tilespmem:v9+s1+$0x0], $0xffff;
	_ =	sdelay $0x1  }
0x76: {  	v9 =	vor.u32 v6, v10;
	_ =	sdelay $0x3  }
0x77: {  	[tilespmem:s3+$0x10] =	vst v8  }
0x78: {  	v9 =	vld.idx.msk [tilespmem:v9+s1+$0x0], $0xffff  }
.Ltmp0:
0x79: {  	(pc) =	sbr.rel @p0 .LBB2_2-.Ltmp0, $2  }
0x7a: {  	v8 =	vor.u32 v7, v10;
	_ =	sdelay $0x2  }
0x7b: {  	v10 =	vmov s4;
	s4 =	sadd.s32 $0x1, s4  }
0x7c: {  	_ =	sdelay $0x1  }
0x7d: {  	v10 =	vand.u32 $0x7F, v10  }
0x7e: {  	[tilespmem:s3+$0x20] =	vst v9;
	v9 =	vbroadcast v10, $0x0  }
0x7f: {  	v8 =	vld.idx.msk [tilespmem:v8+s1+$0x0], $0xffff  }
0x80: {  	v10 =	vor.u32 v0, v9;
	_ =	sdelay $0x3  }
0x81: {  	[tilespmem:s3+$0x30] =	vst v8  }
0x82: {  	v8 =	vld.idx.msk [tilespmem:v10+s1+$0x0], $0xffff  }
0x83: {  	v10 =	vor.u32 v1, v9;
	_ =	sdelay $0x2  }
0x84: {  	s4 =	sadd.s32 $0x80, s3  }
0x85: {  	[tilespmem:s4+$0xFFFFFFC0] =	vst v8  }
0x86: {  	v8 =	vld.idx.msk [tilespmem:v10+s1+$0x0], $0xffff  }
0x87: {  	v10 =	vor.u32 v2, v9;
	_ =	sdelay $0x3  }
0x88: {  	[tilespmem:s4+$0xFFFFFFD0] =	vst v8  }
0x89: {  	v8 =	vld.idx.msk [tilespmem:v10+s1+$0x0], $0xffff  }
0x8a: {  	v10 =	vor.u32 v3, v9;
	_ =	sdelay $0x3  }
0x8b: {  	[tilespmem:s4+$0xFFFFFFE0] =	vst v8  }
0x8c: {  	v8 =	vld.idx.msk [tilespmem:v10+s1+$0x0], $0xffff  }
0x8d: {  	v10 =	vor.u32 v4, v9;
	_ =	sdelay $0x3  }
0x8e: {  	[tilespmem:s4+$0xFFFFFFF0] =	vst v8  }
0x8f: {  	v8 =	vld.idx.msk [tilespmem:v10+s1+$0x0], $0xffff  }
0x90: {  	v10 =	vor.u32 v5, v9;
	_ =	sdelay $0x3  }
0x91: {  	[tilespmem:s4+$0x0] =	vst v8  }
0x92: {  	v8 =	vld.idx.msk [tilespmem:v10+s1+$0x0], $0xffff  }
0x93: {  	v10 =	vor.u32 v6, v9;
	_ =	sdelay $0x3  }
0x94: {  	[tilespmem:s4+$0x10] =	vst v8  }
0x95: {  	v8 =	vld.idx.msk [tilespmem:v10+s1+$0x0], $0xffff  }
0x96: {  	v9 =	vor.u32 v7, v9;
	_ =	sdelay $0x3  }
0x97: {  	[tilespmem:s4+$0x20] =	vst v8  }
0x98: {  	v8 =	vld.idx.msk [tilespmem:v9+s1+$0x0], $0xffff;
	_ =	sdelay $0x4  }
0x99: {  	[tilespmem:s4+$0x30] =	vst v8  }
0x9a: {  	_ =	swait.ge [sflag:s31], $0x2710  }
0x9b: {  	[sflag:s31] =	ssyncset.done $0x0  }
0x9c: {  	[sflag:s31] =	ssyncadd.s32 $0xFFFFD8F0  }
0x9d: {  	_ =	swait.ge [sflag:s31], $0x2710  }
0x9e: {  	[sflag:s31] =	ssyncset.done $0x0  }
0x9f: {  	[sflag:s31] =	ssyncadd.s32 $0xFFFFD8F0  }
0xa0: {  	_ =	swait.ge [sflag:s31], $0x2710  }
0xa1: {  	[sflag:s31] =	ssyncset.done $0x0  }
0xa2: {  	[sflag:s31] =	ssyncadd.s32 $0xFFFFD8F0  }
0xa3: {  	_ =	swait.ge [sflag:s31], $0x2710  }
0xa4: {  	[sflag:s31] =	ssyncset.done $0x0  }
0xa5: {  	[sflag:s31] =	ssyncadd.s32 $0xFFFFD8F0  }
0xa6: {  	_ =	swait.ge [sflag:s31], $0x2710  }
0xa7: {  	[sflag:s31] =	ssyncset.done $0x0  }
0xa8: {  	[sflag:s31] =	ssyncadd.s32 $0xFFFFD8F0  }
0xa9: {  	_ =	swait.ge [sflag:s31], $0x2710  }
0xaa: {  	[sflag:s31] =	ssyncset.done $0x0  }
0xab: {  	[sflag:s31] =	ssyncadd.s32 $0xFFFFD8F0  }
0xac: {  	_ =	swait.ge [sflag:s31], $0x2710  }
0xad: {  	[sflag:s31] =	ssyncset.done $0x0  }
0xae: {  	[sflag:s31] =	ssyncadd.s32 $0xFFFFD8F0  }
0xaf: {  	_ =	swait.ge [sflag:s31], $0x2710  }
0xb0: {  	[sflag:s31] =	ssyncset.done $0x0  }
0xb1: {  	[sflag:s31] =	ssyncadd.s32 $0xFFFFD8F0  }
0xb2: {  	_ =	swait.ge [sflag:s31], $0x2710  }
0xb3: {  	[sflag:s31] =	ssyncset.done $0x0  }
0xb4: {  	[sflag:s31] =	ssyncadd.s32 $0xFFFFD8F0  }
0xb5: {  	_ =	swait.ge [sflag:s31], $0x2710  }
0xb6: {  	[sflag:s31] =	ssyncset.done $0x0  }
0xb7: {  	s4 =	simm.s32 $0x0;
	[sflag:s31] =	ssyncadd.s32 $0xFFFFD8F0  }
0xb8: {  	v8 =	vld [tilespmem:s4+$0x4070]  }
0xb9: {  	v9 =	vld [tilespmem:s4+$0x4000]  }
0xba: {  	v10 =	vld [tilespmem:s4+$0x4010]  }
0xbb: {  	v11 =	vld [tilespmem:s4+$0x4020]  }
0xbc: {  	v12 =	vld [tilespmem:s4+$0x4030]  }
0xbd: {  	v13 =	vld [tilespmem:s4+$0x4040]  }
0xbe: {  	v14 =	vld [tilespmem:s4+$0x4050]  }
0xbf: {  	v15 =	vld [tilespmem:s4+$0x4060]  }
0xc0: {  	v8 =	vld.idx.msk [tilespmem:v8+s12+$0x0], $0xffff  }
0xc1: {  	v9 =	vld.idx.msk [tilespmem:v9+s12+$0x0], $0xffff  }
0xc2: {  	v20 =	vld.idx.msk [tilespmem:v10+s12+$0x0], $0xffff  }
0xc3: {  	v19 =	vld.idx.msk [tilespmem:v11+s12+$0x0], $0xffff  }
0xc4: {  	v18 =	vld.idx.msk [tilespmem:v12+s12+$0x0], $0xffff  }
0xc5: {  	v17 =	vld.idx.msk [tilespmem:v13+s12+$0x0], $0xffff  }
0xc6: {  	v10 =	vimm.f32 $0.0e+00;
	v16 =	vld.idx.msk [tilespmem:v14+s12+$0x0], $0xffff;
	v13 =	vimm.f32 $0.0e+00  }
0xc7: {  	v11 =	vimm.f32 $0.0e+00;
	v21 =	vld.idx.msk [tilespmem:v15+s12+$0x0], $0xffff;
	v15 =	vimm.f32 $0.0e+00;
	v14 =	vimm.f32 $0.0e+00  }
0xc8: {  	s3 =	simm.s32 $0x400;
	s4 =	simm.s32 $0x80;
	v12 =	vimm.f32 $0.0e+00;
	v8 =	vadd.f32 v8, v10;
	v9 =	vadd.f32 v9, v10  }
.LBB2_4:
0xc9: {  	p0 =	sne.s32 s3, $0xC600;
	v22 =	vld [tilespmem:s4+$0x4070];
	v10 =	vadd.f32 v20, v10  }
0xca: {  	v13 =	vadd.f32 v19, v13;
	v20 =	vld [tilespmem:s4+$0x4000]  }
0xcb: {  	v11 =	vadd.f32 v18, v11;
	v19 =	vld [tilespmem:s4+$0x4010]  }
0xcc: {  	v15 =	vadd.f32 v17, v15;
	v18 =	vld [tilespmem:s4+$0x4020]  }
0xcd: {  	v14 =	vadd.f32 v16, v14;
	v17 =	vld [tilespmem:s4+$0x4030]  }
0xce: {  	v12 =	vadd.f32 v21, v12;
	v16 =	vld [tilespmem:s4+$0x4040]  }
0xcf: {  	v21 =	vld [tilespmem:s4+$0x4050]  }
0xd0: {  	v23 =	vld [tilespmem:s4+$0x4060]  }
0xd1: {  	v22 =	vld.idx.msk [tilespmem:v22+s12+$0x0], $0xffff  }
0xd2: {  	v24 =	vld.idx.msk [tilespmem:v20+s12+$0x0], $0xffff  }
0xd3: {  	v20 =	vld.idx.msk [tilespmem:v19+s12+$0x0], $0xffff  }
.Ltmp1:
0xd4: {  	v19 =	vld.idx.msk [tilespmem:v18+s12+$0x0], $0xffff;
	(pc) =	sbr.rel @p0 .LBB2_4-.Ltmp1, $4  }
0xd5: {  	v18 =	vld.idx.msk [tilespmem:v17+s12+$0x0], $0xffff  }
0xd6: {  	v17 =	vld.idx.msk [tilespmem:v16+s12+$0x0], $0xffff  }
0xd7: {  	v8 =	vadd.f32 v22, v8;
	v16 =	vld.idx.msk [tilespmem:v21+s12+$0x0], $0xffff  }
0xd8: {  	s4 =	sshra.s32 s3, $0x2;
	s3 =	sadd.s32 $0x200, s3;
	v9 =	vadd.f32 v24, v9;
	v21 =	vld.idx.msk [tilespmem:v23+s12+$0x0], $0xffff  }
0xd9: {  	v22 =	vld [tilespmem:s4+$0x4070]  }
0xda: {  	v23 =	vld [tilespmem:s4+$0x4000]  }
0xdb: {  	v24 =	vld [tilespmem:s4+$0x4010]  }
0xdc: {  	v25 =	vld [tilespmem:s4+$0x4020]  }
0xdd: {  	v26 =	vld [tilespmem:s4+$0x4030]  }
0xde: {  	v27 =	vld [tilespmem:s4+$0x4040]  }
0xdf: {  	v28 =	vld [tilespmem:s4+$0x4050]  }
0xe0: {  	v29 =	vld [tilespmem:s4+$0x4060]  }
0xe1: {  	v30 =	vld [tilespmem:$0x1FB00]  }
0xe2: {  	v51 =	vld [tilespmem:$0x1FB10]  }
0xe3: {  	v52 =	vld [tilespmem:$0x1FB20]  }
0xe4: {  	v53 =	vld [tilespmem:$0x1FB30]  }
0xe5: {  	v54 =	vld [tilespmem:$0x1FB40]  }
0xe6: {  	v55 =	vld [tilespmem:$0x1FB50]  }
0xe7: {  	v23 =	vld.idx.msk [tilespmem:v23+s12+$0x0], $0xffff  }
0xe8: {  	v24 =	vld.idx.msk [tilespmem:v24+s12+$0x0], $0xffff  }
0xe9: {  	v25 =	vld.idx.msk [tilespmem:v25+s12+$0x0], $0xffff  }
0xea: {  	v10 =	vadd.f32 v20, v10;
	v13 =	vadd.f32 v19, v13;
	v26 =	vld.idx.msk [tilespmem:v26+s12+$0x0], $0xffff  }
0xeb: {  	v11 =	vadd.f32 v18, v11;
	v15 =	vadd.f32 v17, v15;
	v27 =	vld.idx.msk [tilespmem:v27+s12+$0x0], $0xffff  }
0xec: {  	v14 =	vadd.f32 v16, v14;
	v28 =	vld.idx.msk [tilespmem:v28+s12+$0x0], $0xffff;
	v9 =	vadd.f32 v23, v9  }
0xed: {  	v12 =	vadd.f32 v21, v12;
	v29 =	vld.idx.msk [tilespmem:v29+s12+$0x0], $0xffff;
	v10 =	vadd.f32 v24, v10  }
0xee: {  	v22 =	vld.idx.msk [tilespmem:v22+s12+$0x0], $0xffff;
	v13 =	vadd.f32 v25, v13;
	v9 =	vadd.f32 v30, v9  }
0xef: {  	v56 =	vld [tilespmem:$0x1FB60];
	v11 =	vadd.f32 v26, v11;
	v10 =	vadd.f32 v51, v10  }
0xf0: {  	v58 =	vld [tilespmem:$0x1FB70];
	v15 =	vadd.f32 v27, v15;
	v57 =	vadd.f32 v52, v13;
	[tilespmem:$0x1FB00] =	vst v9  }
0xf1: {  	v14 =	vadd.f32 v28, v14;
	v59 =	vadd.f32 v53, v11;
	[tilespmem:$0x1FB10] =	vst v10  }
0xf2: {  	v60 =	vadd.f32 v29, v12;
	v61 =	vadd.f32 v54, v15;
	[tilespmem:$0x1FB20] =	vst v57  }
0xf3: {  	v8 =	vadd.f32 v22, v8;
	v62 =	vadd.f32 v55, v14;
	[tilespmem:$0x1FB30] =	vst v59  }
0xf4: {  	v63 =	vadd.f32 v56, v60;
	[tilespmem:$0x1FB40] =	vst v61  }
0xf5: {  	s2 =	sadd.s32 $0x1, s2;
	v8 =	vadd.f32 v58, v8;
	[tilespmem:$0x1FB50] =	vst v62  }
0xf6: {  	p0 =	sne.s32 s2, s26;
	[tilespmem:$0x1FB60] =	vst v63  }
.Ltmp2:
0xf7: {  	[tilespmem:$0x1FB70] =	vst v8;
	(pc) =	sbr.rel @p0 .LBB2_1-.Ltmp2, $4  }
0xf8: {  	[hbm4b:s13+s1] =	stream.linear.scatter [tilespmem:s28], [sflag:$0x4], $0x80, $0x38;
	[tilespmem:$0x1FB80] =	vst v63  }
0xf9: {  	_ =	swait.ge [sflag:s0], $0x80  }
0xfa: {  	[sflag:s0] =	ssyncset.done $0x0  }
0xfb: {  	[sflag:s0] =	ssyncadd.s32 $0xFFFFFF80  }
0xfc: {  	_ =	sfence.sel $0x180000  }
0xfd: {  	[bflag:$0x0] =	sbarrier.arrive $0xFFFF  }
0xfe: {  	_ =	strace $0x9000004A  }
0xff: {  	s0 =	stileid.u32;
	[bflag:$0x2] =	sbarrier.arrive $0xFFFF  }
0x100: {  	p0 =	sne.s32 s0, $0x0;
	s0 =	rddreg [dreg:$0x2]  }
0x101: {  	s0 =	sadd.s32 @!p0 $0x100000, s0  }
0x102: {  	[sflag:s0] =	ssyncadd.tile.s32 @!p0 $0x1;
	_ =	shalt  }
.Lfunc_end2:
_tile_overlayer_lowered:
.L_overlay_start_2:
0x103: {  	(tag) =	ssettag $0x2  }
0x104: {  	s0 =	rddreg [dreg:$0x0];
	s2 =	stileid.u32  }
0x105: {  	s1 =	rddreg [dreg:$0x1];
	p0 =	sne.s32 s2, $0x0  }
0x106: {  	s3 =	rddreg [dreg:$0x2];
	[bflag:$0x3] =	sbarrier.arrive $0xFFFF;
	s2 =	simm.s32 @!p0 $0x1C04  }
0x107: {  	[timem:s3], [sflag:s2] =	dma.local @!p0 [hbm:s0], s1  }
0x108: {  	s0 =	simm.s32 @!p0 $0x4  }
0x109: {  	_ =	swait.ge @!p0 [sflag:s0], s1  }
0x10a: {  	s1 =	ssub.s32 @!p0 $0x0, s1;
	[sflag:s0] =	ssyncset.done @!p0 $0x0  }
0x10b: {  	[sflag:s0] =	ssyncadd.s32 @!p0 s1  }
0x10c: {  	[bflag:$0x3] =	sbarrier.arrive $0xFFFF  }
0x10d: {  	_ =	shalt  }

</sc_bundles>
